<compile_context>
chip_gen: v7x
topology: tpu7x:2x2x1
jax: 0.10.2.dev20260603
libtpu: 0.0.44.dev20260713+nightly
codegen_flags: <defaults>
</compile_context>

<pallas_src>
import functools

import jax
import jax.numpy as jnp
from jax import lax
from jax.experimental import pallas as pl
from jax.experimental.pallas import tpu as pltpu
from jax.experimental.pallas import tpu_sc as plsc

N_NODES = 10000
DIM = 128
N_PAD = 10240
NC, NS = 2, 16
NW = NC * NS
CHUNK = 128
CPW = 80
E_PAD = NW * CPW * CHUNK
RPT = N_PAD // NS
HC = CPW // 2
RB = 1280
DW = 16



def _deg_body(dst2d, zrow, degp, didx_v, ones_v, acc_s, sem):
    cid = lax.axis_index("c")
    sid = lax.axis_index("s")
    wid = sid * NC + cid
    for k in range(CHUNK // 16):
        ones_v[pl.ds(16 * k, 16)] = jnp.full((16,), 1.0, jnp.float32)
    pltpu.sync_copy(zrow, acc_s.at[pl.ds(sid * RPT, RPT)])
    plsc.subcore_barrier()
    base = pl.multiple_of(wid * CPW, 8)
    pltpu.sync_copy(dst2d.at[pl.ds(base, CPW)], didx_v)

    for j in range(DW):
        pltpu.async_copy(ones_v, acc_s.at[didx_v.at[j]], sem, add=True)

    def body(j, carry):
        pltpu.make_async_copy(ones_v, acc_s.at[didx_v.at[0]], sem).wait()
        pltpu.async_copy(ones_v, acc_s.at[didx_v.at[j + DW]], sem, add=True)
        return carry

    lax.fori_loop(0, CPW - DW, body, 0)

    def drain(j, carry):
        pltpu.make_async_copy(ones_v, acc_s.at[didx_v.at[0]], sem).wait()
        return carry

    lax.fori_loop(0, DW, drain, 0)
    plsc.subcore_barrier()
    pltpu.sync_copy(acc_s.at[pl.ds(sid * RPT, RPT)],
                    degp.at[cid, pl.ds(sid * RPT, RPT)])


def _deg(dst2d, zrow):
    mesh = plsc.VectorSubcoreMesh(core_axis_name="c", subcore_axis_name="s")
    return pl.kernel(
        _deg_body,
        out_type=jax.ShapeDtypeStruct((NC, N_PAD), jnp.float32),
        mesh=mesh,
        scratch_types=[
            pltpu.VMEM((CPW, CHUNK), jnp.int32),
            pltpu.VMEM((CHUNK,), jnp.float32),
            pltpu.VMEM_SHARED((N_PAD,), jnp.float32),
            pltpu.SemaphoreType.DMA,
        ],
    )(dst2d, zrow)



def _agg_body(g, src2d, dst2d, zblk, accp,
              sidx_v, didx_v, rows0, rows1, acc_s, sem0, sem1):
    cid = lax.axis_index("c")
    sid = lax.axis_index("s")
    wid = sid * NC + cid
    rbase = pl.multiple_of(sid * RPT, 8)
    pltpu.sync_copy(zblk, rows0)
    for k in range(RPT // CHUNK):
        pltpu.sync_copy(rows0, acc_s.at[pl.ds(rbase + k * CHUNK, CHUNK)])
    plsc.subcore_barrier()

    for h in range(CPW // HC):
        base = pl.multiple_of(wid * CPW + h * HC, 8)
        pltpu.sync_copy(src2d.at[pl.ds(base, HC)], sidx_v)
        pltpu.sync_copy(dst2d.at[pl.ds(base, HC)], didx_v)

        pltpu.async_copy(g.at[sidx_v.at[0]], rows0, sem0)

        def body(j2, carry):
            c0 = 2 * j2
            pltpu.async_copy(g.at[sidx_v.at[c0 + 1]], rows1, sem1)
            pltpu.make_async_copy(g.at[sidx_v.at[c0]], rows0, sem0).wait()
            pltpu.sync_copy(rows0, acc_s.at[didx_v.at[c0]], add=True)
            pltpu.async_copy(g.at[sidx_v.at[c0 + 2]], rows0, sem0)
            pltpu.make_async_copy(g.at[sidx_v.at[c0 + 1]], rows1, sem1).wait()
            pltpu.sync_copy(rows1, acc_s.at[didx_v.at[c0 + 1]], add=True)
            return carry

        lax.fori_loop(0, HC // 2 - 1, body, 0)
        pltpu.async_copy(g.at[sidx_v.at[HC - 1]], rows1, sem1)
        pltpu.make_async_copy(g.at[sidx_v.at[HC - 2]], rows0, sem0).wait()
        pltpu.sync_copy(rows0, acc_s.at[didx_v.at[HC - 2]], add=True)
        pltpu.make_async_copy(g.at[sidx_v.at[HC - 1]], rows1, sem1).wait()
        pltpu.sync_copy(rows1, acc_s.at[didx_v.at[HC - 1]], add=True)

    plsc.subcore_barrier()
    pltpu.sync_copy(acc_s.at[pl.ds(sid * RPT, RPT)],
                    accp.at[cid, pl.ds(sid * RPT, RPT)])


def _agg(g, src2d, dst2d, zblk):
    mesh = plsc.VectorSubcoreMesh(core_axis_name="c", subcore_axis_name="s")
    return pl.kernel(
        _agg_body,
        out_type=jax.ShapeDtypeStruct((NC, N_PAD, DIM), jnp.float32),
        mesh=mesh,
        scratch_types=[
            pltpu.VMEM((HC, CHUNK), jnp.int32),
            pltpu.VMEM((HC, CHUNK), jnp.int32),
            pltpu.VMEM((CHUNK, DIM), jnp.float32),
            pltpu.VMEM((CHUNK, DIM), jnp.float32),
            pltpu.VMEM_SHARED((N_PAD, DIM), jnp.float32),
            pltpu.SemaphoreType.DMA,
            pltpu.SemaphoreType.DMA,
        ],
    )(g, src2d, dst2d, zblk)



def _mm_body(x_ref, w_ref, h_ref):
    h_ref[...] = lax.dot_general(x_ref[...], w_ref[...],
                                 (((1,), (1,)), ((), ())),
                                 preferred_element_type=jnp.float32,
                                 precision=lax.Precision.HIGHEST)


def _mm(x_pad, W):
    return pl.pallas_call(
        _mm_body,
        grid=(N_PAD // RB,),
        in_specs=[
            pl.BlockSpec((RB, DIM), lambda i: (i, 0)),
            pl.BlockSpec((DIM, DIM), lambda i: (0, 0)),
        ],
        out_specs=pl.BlockSpec((RB, DIM), lambda i: (i, 0)),
        out_shape=jax.ShapeDtypeStruct((N_PAD, DIM), jnp.float32),
    )(x_pad, W)


def _scale_body(h_ref, degp_ref, g_ref):
    deg = degp_ref[0, :] + degp_ref[1, :] + 1.0
    dis = lax.rsqrt(deg)
    g_ref[...] = h_ref[...] * dis[:, None]


def _scale(h, degp):
    return pl.pallas_call(
        _scale_body,
        grid=(N_PAD // RB,),
        in_specs=[
            pl.BlockSpec((RB, DIM), lambda i: (i, 0)),
            pl.BlockSpec((NC, RB), lambda i: (0, i)),
        ],
        out_specs=pl.BlockSpec((RB, DIM), lambda i: (i, 0)),
        out_shape=jax.ShapeDtypeStruct((N_PAD, DIM), jnp.float32),
    )(h, degp)



def _out_body(accp_ref, g_ref, degp_ref, b_ref, o_ref):
    deg = degp_ref[0, :] + degp_ref[1, :] + 1.0
    dis = lax.rsqrt(deg)
    s = accp_ref[0] + accp_ref[1] + g_ref[...]
    o_ref[...] = s * dis[:, None] + b_ref[...]


def _out(accp, g, degp, b2):
    return pl.pallas_call(
        _out_body,
        grid=(N_PAD // RB,),
        in_specs=[
            pl.BlockSpec((NC, RB, DIM), lambda i: (0, i, 0)),
            pl.BlockSpec((RB, DIM), lambda i: (i, 0)),
            pl.BlockSpec((NC, RB), lambda i: (0, i)),
            pl.BlockSpec((1, DIM), lambda i: (0, 0)),
        ],
        out_specs=pl.BlockSpec((RB, DIM), lambda i: (i, 0)),
        out_shape=jax.ShapeDtypeStruct((N_PAD, DIM), jnp.float32),
    )(accp, g, degp, b2)



def kernel(x, edge_index, W, b):
    n_edges = edge_index.shape[1]
    src = edge_index[0].astype(jnp.int32)
    dst = edge_index[1].astype(jnp.int32)
    n_extra = E_PAD - n_edges
    pad_idx = (jnp.arange(n_extra, dtype=jnp.int32) % (N_PAD - N_NODES)) + N_NODES
    src2d = jnp.concatenate([src, pad_idx]).reshape(NW * CPW, CHUNK)
    dst2d = jnp.concatenate([dst, pad_idx]).reshape(NW * CPW, CHUNK)
    x_pad = jnp.concatenate([x, jnp.zeros((N_PAD - N_NODES, DIM), x.dtype)])
    zrow = jnp.zeros((RPT,), jnp.float32)
    zblk = jnp.zeros((CHUNK, DIM), jnp.float32)

    h = _mm(x_pad, W)
    degp = _deg(dst2d, zrow)
    g = _scale(h, degp)
    accp = _agg(g, src2d, dst2d, zblk)
    out_pad = _out(accp, g, degp, b.reshape(1, DIM))
    return out_pad[:N_NODES]

# --- scband reference (transcript-rebuilt; emitter-appended) ---
"""Pipeline reference for scband-egcnconv-89567247991617 (READ-ONLY COPY).

The authoritative reference and input builder live on the scoring server;
editing this copy changes nothing except your own understanding.
"""

import jax, jax.numpy as jnp
import numpy as np

N_NODES = 10000
N_EDGES = 320000
DIM_IN = 128
DIM_OUT = 128


def setup_inputs(seed: int = 0) -> dict:
    key = jax.random.key(seed)
    k_x, k_e, k_w, k_b = jax.random.split(key, 4)
    x = jax.random.normal(k_x, (N_NODES, DIM_IN), dtype=jnp.float32)
    edge_index = jax.random.randint(k_e, (2, N_EDGES), 0, N_NODES, dtype=jnp.int64)
    # GCNConv linear weight [out, in] (glorot) and bias [out] (zeros in pyg, use small random here)
    scale = float(np.sqrt(6.0 / (DIM_IN + DIM_OUT)))
    W = jax.random.uniform(k_w, (DIM_OUT, DIM_IN), dtype=jnp.float32, minval=-scale, maxval=scale)
    b = jnp.zeros((DIM_OUT,), dtype=jnp.float32)
    return {"x": x, "edge_index": edge_index, "W": W, "b": b}


def reference(x, edge_index, W, b):
    # Faithful GCNConv: add self-loops, symmetric normalization, linear transform, scatter-add aggregate.
    N = x.shape[0]
    src = edge_index[0]
    dst = edge_index[1]
    loop = jnp.arange(N, dtype=edge_index.dtype)
    row = jnp.concatenate([src, loop])  # message source
    col = jnp.concatenate([dst, loop])  # aggregation target
    edge_weight = jnp.ones(row.shape[0], dtype=x.dtype)
    # degree computed on target nodes (col), matching pyg gcn_norm with self-loops included
    deg = jnp.zeros((N,), dtype=x.dtype).at[col].add(edge_weight)
    deg_inv_sqrt = jnp.where(deg > 0, jax.lax.rsqrt(jnp.maximum(deg, 1e-12)), 0.0)
    norm = deg_inv_sqrt[row] * edge_weight * deg_inv_sqrt[col]
    # linear transform first (pyg applies lin before propagate)
    h = x @ W.T
    # gather messages from source nodes, scale by norm
    msg = h[row] * norm[:, None]
    # scatter-add into destination nodes
    out = jnp.zeros((N, h.shape[1]), dtype=h.dtype).at[col].add(msg)
    out = out + b
    return out

if __name__ == "__main__":
    import jax
    _d = setup_inputs()
    print(jax.jit(kernel)(*tuple(_d.values())))

</pallas_src>

<mosaic_0001>
#map = affine_map<(d0, d1) -> (0, 0)>
#map1 = affine_map<(d0, d1) -> (0)>
module attributes {stable_mosaic.version = 14 : i64} {
  func.func @_deg_body(%arg0: i32, %arg1: i32, %arg2: memref<2560x128xi32, #tpu.memory_space<hbm>>, %arg3: memref<640xf32, #tpu.memory_space<hbm>>, %arg4: memref<2x10240xf32, #tpu.memory_space<hbm>>, %arg5: memref<80x128xi32, #tpu.memory_space<vmem>>, %arg6: memref<128xf32, #tpu.memory_space<vmem>>, %arg7: memref<10240xf32, #tpu.memory_space<vmem_shared>>, %arg8: memref<!tpu.dma_semaphore, #tpu.memory_space<semaphore_mem>>) attributes {dimension_semantics = [#tpu.dimension_semantics<core_parallel>, #tpu.dimension_semantics<subcore_parallel>], iteration_bounds = array<i64: 2, 16>, scalar_prefetch = 0 : i64, scratch_operands = 4 : i64, tpu.core_type = #tpu.core_type<sc_vector_subcore>, window_params = [{transform_indices = #map}, {transform_indices = #map1}, {transform_indices = #map}]} {
    %mul3A = arith.constant 2 : i32
    %mul3A_0 = arith.muli %arg1, %mul3A : i32
    %add3A = arith.addi %mul3A_0, %arg0 : i32
    %broadcast_in_dim3A = arith.constant 1.000000e+00 : f32
    %broadcast_in_dim3A_1 = vector.broadcast %broadcast_in_dim3A : f32 to vector<16xf32>
    %swap3A = arith.constant 0 : index
    %swap3A_2 = tpu.vector_load %arg6[%swap3A] {strides = array<i32>} : memref<128xf32, #tpu.memory_space<vmem>>, vector<16xf32>,
    %swap3A_3 = vector.shape_cast %swap3A_2 : vector<16xf32> to vector<16xf32>
    %swap3A_4 = vector.shape_cast %broadcast_in_dim3A_1 : vector<16xf32> to vector<16xf32>
    tpu.vector_store %arg6[%swap3A], %swap3A_4 {strides = array<i32>} : memref<128xf32, #tpu.memory_space<vmem>>, vector<16xf32>,
    %broadcast_in_dim3A_5 = arith.constant 1.000000e+00 : f32
    %broadcast_in_dim3A_6 = vector.broadcast %broadcast_in_dim3A_5 : f32 to vector<16xf32>
    %swap3A_7 = arith.constant 16 : index
    %swap3A_8 = tpu.vector_load %arg6[%swap3A_7] {strides = array<i32>} : memref<128xf32, #tpu.memory_space<vmem>>, vector<16xf32>,
    %swap3A_9 = vector.shape_cast %swap3A_8 : vector<16xf32> to vector<16xf32>
    %swap3A_10 = vector.shape_cast %broadcast_in_dim3A_6 : vector<16xf32> to vector<16xf32>
    tpu.vector_store %arg6[%swap3A_7], %swap3A_10 {strides = array<i32>} : memref<128xf32, #tpu.memory_space<vmem>>, vector<16xf32>,
    %broadcast_in_dim3A_11 = arith.constant 1.000000e+00 : f32
    %broadcast_in_dim3A_12 = vector.broadcast %broadcast_in_dim3A_11 : f32 to vector<16xf32>
    %swap3A_13 = arith.constant 32 : index
    %swap3A_14 = tpu.vector_load %arg6[%swap3A_13] {strides = array<i32>} : memref<128xf32, #tpu.memory_space<vmem>>, vector<16xf32>,
    %swap3A_15 = vector.shape_cast %swap3A_14 : vector<16xf32> to vector<16xf32>
    %swap3A_16 = vector.shape_cast %broadcast_in_dim3A_12 : vector<16xf32> to vector<16xf32>
    tpu.vector_store %arg6[%swap3A_13], %swap3A_16 {strides = array<i32>} : memref<128xf32, #tpu.memory_space<vmem>>, vector<16xf32>,
    %broadcast_in_dim3A_17 = arith.constant 1.000000e+00 : f32
    %broadcast_in_dim3A_18 = vector.broadcast %broadcast_in_dim3A_17 : f32 to vector<16xf32>
    %swap3A_19 = arith.constant 48 : index
    %swap3A_20 = tpu.vector_load %arg6[%swap3A_19] {strides = array<i32>} : memref<128xf32, #tpu.memory_space<vmem>>, vector<16xf32>,
    %swap3A_21 = vector.shape_cast %swap3A_20 : vector<16xf32> to vector<16xf32>
    %swap3A_22 = vector.shape_cast %broadcast_in_dim3A_18 : vector<16xf32> to vector<16xf32>
    tpu.vector_store %arg6[%swap3A_19], %swap3A_22 {strides = array<i32>} : memref<128xf32, #tpu.memory_space<vmem>>, vector<16xf32>,
    %broadcast_in_dim3A_23 = arith.constant 1.000000e+00 : f32
    %broadcast_in_dim3A_24 = vector.broadcast %broadcast_in_dim3A_23 : f32 to vector<16xf32>
    %swap3A_25 = arith.constant 64 : index
    %swap3A_26 = tpu.vector_load %arg6[%swap3A_25] {strides = array<i32>} : memref<128xf32, #tpu.memory_space<vmem>>, vector<16xf32>,
    %swap3A_27 = vector.shape_cast %swap3A_26 : vector<16xf32> to vector<16xf32>
    %swap3A_28 = vector.shape_cast %broadcast_in_dim3A_24 : vector<16xf32> to vector<16xf32>
    tpu.vector_store %arg6[%swap3A_25], %swap3A_28 {strides = array<i32>} : memref<128xf32, #tpu.memory_space<vmem>>, vector<16xf32>,
    %broadcast_in_dim3A_29 = arith.constant 1.000000e+00 : f32
    %broadcast_in_dim3A_30 = vector.broadcast %broadcast_in_dim3A_29 : f32 to vector<16xf32>
    %swap3A_31 = arith.constant 80 : index
    %swap3A_32 = tpu.vector_load %arg6[%swap3A_31] {strides = array<i32>} : memref<128xf32, #tpu.memory_space<vmem>>, vector<16xf32>,
    %swap3A_33 = vector.shape_cast %swap3A_32 : vector<16xf32> to vector<16xf32>
    %swap3A_34 = vector.shape_cast %broadcast_in_dim3A_30 : vector<16xf32> to vector<16xf32>
    tpu.vector_store %arg6[%swap3A_31], %swap3A_34 {strides = array<i32>} : memref<128xf32, #tpu.memory_space<vmem>>, vector<16xf32>,
    %broadcast_in_dim3A_35 = arith.constant 1.000000e+00 : f32
    %broadcast_in_dim3A_36 = vector.broadcast %broadcast_in_dim3A_35 : f32 to vector<16xf32>
    %swap3A_37 = arith.constant 96 : index
    %swap3A_38 = tpu.vector_load %arg6[%swap3A_37] {strides = array<i32>} : memref<128xf32, #tpu.memory_space<vmem>>, vector<16xf32>,
    %swap3A_39 = vector.shape_cast %swap3A_38 : vector<16xf32> to vector<16xf32>
    %swap3A_40 = vector.shape_cast %broadcast_in_dim3A_36 : vector<16xf32> to vector<16xf32>
    tpu.vector_store %arg6[%swap3A_37], %swap3A_40 {strides = array<i32>} : memref<128xf32, #tpu.memory_space<vmem>>, vector<16xf32>,
    %broadcast_in_dim3A_41 = arith.constant 1.000000e+00 : f32
    %broadcast_in_dim3A_42 = vector.broadcast %broadcast_in_dim3A_41 : f32 to vector<16xf32>
    %swap3A_43 = arith.constant 112 : index
    %swap3A_44 = tpu.vector_load %arg6[%swap3A_43] {strides = array<i32>} : memref<128xf32, #tpu.memory_space<vmem>>, vector<16xf32>,
    %swap3A_45 = vector.shape_cast %swap3A_44 : vector<16xf32> to vector<16xf32>
    %swap3A_46 = vector.shape_cast %broadcast_in_dim3A_42 : vector<16xf32> to vector<16xf32>
    tpu.vector_store %arg6[%swap3A_43], %swap3A_46 {strides = array<i32>} : memref<128xf32, #tpu.memory_space<vmem>>, vector<16xf32>,
    %mul3A_47 = arith.constant 640 : i32
    %mul3A_48 = arith.muli %arg1, %mul3A_47 : i32
    "tpu.region"() ({
      %run_scoped3A = tpu.sem_alloc : memref<!tpu.dma_semaphore, #tpu.memory_space<semaphore_mem>>
      %dma_start3A_162 = tpu.memref_slice %arg7[%mul3A_48] : memref<10240xf32, #tpu.memory_space<vmem_shared>> -> memref<640xf32, #tpu.memory_space<vmem_shared>>
      tpu.enqueue_dma source(%arg3 : memref<640xf32, #tpu.memory_space<hbm>>) target(%dma_start3A_162 : memref<640xf32, #tpu.memory_space<vmem_shared>>) target_semaphore(%run_scoped3A : memref<!tpu.dma_semaphore, #tpu.memory_space<semaphore_mem>>)
      %dma_wait3A = tpu.memref_slice %arg7[%mul3A_48] : memref<10240xf32, #tpu.memory_space<vmem_shared>> -> memref<640xf32, #tpu.memory_space<vmem_shared>>
      tpu.wait_dma2 semaphore(%run_scoped3A : memref<!tpu.dma_semaphore, #tpu.memory_space<semaphore_mem>>) src(%arg3 : memref<640xf32, #tpu.memory_space<hbm>>) dst(%dma_wait3A : memref<640xf32, #tpu.memory_space<vmem_shared>>)
      tpu.yield
    }) : () -> ()
    %barrier3A = arith.constant 0 : index
    tpu.barrier barrier_id(%barrier3A)
    %mul3A_49 = arith.constant 80 : i32
    %mul3A_50 = arith.muli %add3A, %mul3A_49 : i32
    %multiple_of3A = tpu.assume_multiple %mul3A_50, 8 : i32
    "tpu.region"() ({
      %run_scoped3A = tpu.sem_alloc : memref<!tpu.dma_semaphore, #tpu.memory_space<semaphore_mem>>
      %dma_start3A_162 = arith.constant 0 : i32
      %dma_start3A_163 = tpu.memref_slice %arg2[%multiple_of3A, %dma_start3A_162] : memref<2560x128xi32, #tpu.memory_space<hbm>> -> memref<80x128xi32, #tpu.memory_space<hbm>>
      %dma_start3A_164 = arith.constant 0 : i32
      %dma_start3A_165 = tpu.memref_slice %arg2[%multiple_of3A, %dma_start3A_164] : memref<2560x128xi32, #tpu.memory_space<hbm>> -> memref<80x128xi32, #tpu.memory_space<hbm>>
      tpu.enqueue_dma source(%dma_start3A_165 : memref<80x128xi32, #tpu.memory_space<hbm>>) target(%arg5 : memref<80x128xi32, #tpu.memory_space<vmem>>) target_semaphore(%run_scoped3A : memref<!tpu.dma_semaphore, #tpu.memory_space<semaphore_mem>>)
      %dma_wait3A = arith.constant 0 : i32
      %dma_wait3A_166 = tpu.memref_slice %arg2[%multiple_of3A, %dma_wait3A] : memref<2560x128xi32, #tpu.memory_space<hbm>> -> memref<80x128xi32, #tpu.memory_space<hbm>>
      %dma_wait3A_167 = arith.constant 0 : i32
      %dma_wait3A_168 = tpu.memref_slice %arg2[%multiple_of3A, %dma_wait3A_167] : memref<2560x128xi32, #tpu.memory_space<hbm>> -> memref<80x128xi32, #tpu.memory_space<hbm>>
      tpu.wait_dma2 semaphore(%run_scoped3A : memref<!tpu.dma_semaphore, #tpu.memory_space<semaphore_mem>>) src(%dma_wait3A_168 : memref<80x128xi32, #tpu.memory_space<hbm>>) dst(%arg5 : memref<80x128xi32, #tpu.memory_space<vmem>>)
      tpu.yield
    }) : () -> ()
    %dma_start3A = arith.constant 0 : i32
    %dma_start3A_51 = arith.constant 0 : i32
    %dma_start3A_52 = tpu.memref_slice %arg5[%dma_start3A, %dma_start3A_51] : memref<80x128xi32, #tpu.memory_space<vmem>> -> memref<1x128xi32, #tpu.memory_space<vmem>>
    %dma_start3A_53 = tpu.memref_squeeze %dma_start3A_52 : memref<1x128xi32, #tpu.memory_space<vmem>> -> memref<128xi32, #tpu.memory_space<vmem>>
    %dma_start3A_54 = arith.constant 0 : i32
    %dma_start3A_55 = tpu.memref_slice %arg7[%dma_start3A_54] : memref<10240xf32, #tpu.memory_space<vmem_shared>> -> memref<10240xf32, #tpu.memory_space<vmem_shared>>
    tpu.enqueue_indirect_dma source(%arg6 : memref<128xf32, #tpu.memory_space<vmem>>) target(%dma_start3A_55 : memref<10240xf32, #tpu.memory_space<vmem_shared>>) offsets(%dma_start3A_53 : memref<128xi32, #tpu.memory_space<vmem>>) semaphore(%arg8 : memref<!tpu.dma_semaphore, #tpu.memory_space<semaphore_mem>>) {add = true}
    %dma_start3A_56 = arith.constant 1 : i32
    %dma_start3A_57 = arith.constant 0 : i32
    %dma_start3A_58 = tpu.memref_slice %arg5[%dma_start3A_56, %dma_start3A_57] : memref<80x128xi32, #tpu.memory_space<vmem>> -> memref<1x128xi32, #tpu.memory_space<vmem>>
    %dma_start3A_59 = tpu.memref_squeeze %dma_start3A_58 : memref<1x128xi32, #tpu.memory_space<vmem>> -> memref<128xi32, #tpu.memory_space<vmem>>
    %dma_start3A_60 = arith.constant 0 : i32
    %dma_start3A_61 = tpu.memref_slice %arg7[%dma_start3A_60] : memref<10240xf32, #tpu.memory_space<vmem_shared>> -> memref<10240xf32, #tpu.memory_space<vmem_shared>>
    tpu.enqueue_indirect_dma source(%arg6 : memref<128xf32, #tpu.memory_space<vmem>>) target(%dma_start3A_61 : memref<10240xf32, #tpu.memory_space<vmem_shared>>) offsets(%dma_start3A_59 : memref<128xi32, #tpu.memory_space<vmem>>) semaphore(%arg8 : memref<!tpu.dma_semaphore, #tpu.memory_space<semaphore_mem>>) {add = true}
    %dma_start3A_62 = arith.constant 2 : i32
    %dma_start3A_63 = arith.constant 0 : i32
    %dma_start3A_64 = tpu.memref_slice %arg5[%dma_start3A_62, %dma_start3A_63] : memref<80x128xi32, #tpu.memory_space<vmem>> -> memref<1x128xi32, #tpu.memory_space<vmem>>
    %dma_start3A_65 = tpu.memref_squeeze %dma_start3A_64 : memref<1x128xi32, #tpu.memory_space<vmem>> -> memref<128xi32, #tpu.memory_space<vmem>>
    %dma_start3A_66 = arith.constant 0 : i32
    %dma_start3A_67 = tpu.memref_slice %arg7[%dma_start3A_66] : memref<10240xf32, #tpu.memory_space<vmem_shared>> -> memref<10240xf32, #tpu.memory_space<vmem_shared>>
    tpu.enqueue_indirect_dma source(%arg6 : memref<128xf32, #tpu.memory_space<vmem>>) target(%dma_start3A_67 : memref<10240xf32, #tpu.memory_space<vmem_shared>>) offsets(%dma_start3A_65 : memref<128xi32, #tpu.memory_space<vmem>>) semaphore(%arg8 : memref<!tpu.dma_semaphore, #tpu.memory_space<semaphore_mem>>) {add = true}
    %dma_start3A_68 = arith.constant 3 : i32
    %dma_start3A_69 = arith.constant 0 : i32
    %dma_start3A_70 = tpu.memref_slice %arg5[%dma_start3A_68, %dma_start3A_69] : memref<80x128xi32, #tpu.memory_space<vmem>> -> memref<1x128xi32, #tpu.memory_space<vmem>>
    %dma_start3A_71 = tpu.memref_squeeze %dma_start3A_70 : memref<1x128xi32, #tpu.memory_space<vmem>> -> memref<128xi32, #tpu.memory_space<vmem>>
    %dma_start3A_72 = arith.constant 0 : i32
    %dma_start3A_73 = tpu.memref_slice %arg7[%dma_start3A_72] : memref<10240xf32, #tpu.memory_space<vmem_shared>> -> memref<10240xf32, #tpu.memory_space<vmem_shared>>
    tpu.enqueue_indirect_dma source(%arg6 : memref<128xf32, #tpu.memory_space<vmem>>) target(%dma_start3A_73 : memref<10240xf32, #tpu.memory_space<vmem_shared>>) offsets(%dma_start3A_71 : memref<128xi32, #tpu.memory_space<vmem>>) semaphore(%arg8 : memref<!tpu.dma_semaphore, #tpu.memory_space<semaphore_mem>>) {add = true}
    %dma_start3A_74 = arith.constant 4 : i32
    %dma_start3A_75 = arith.constant 0 : i32
    %dma_start3A_76 = tpu.memref_slice %arg5[%dma_start3A_74, %dma_start3A_75] : memref<80x128xi32, #tpu.memory_space<vmem>> -> memref<1x128xi32, #tpu.memory_space<vmem>>
    %dma_start3A_77 = tpu.memref_squeeze %dma_start3A_76 : memref<1x128xi32, #tpu.memory_space<vmem>> -> memref<128xi32, #tpu.memory_space<vmem>>
    %dma_start3A_78 = arith.constant 0 : i32
    %dma_start3A_79 = tpu.memref_slice %arg7[%dma_start3A_78] : memref<10240xf32, #tpu.memory_space<vmem_shared>> -> memref<10240xf32, #tpu.memory_space<vmem_shared>>
    tpu.enqueue_indirect_dma source(%arg6 : memref<128xf32, #tpu.memory_space<vmem>>) target(%dma_start3A_79 : memref<10240xf32, #tpu.memory_space<vmem_shared>>) offsets(%dma_start3A_77 : memref<128xi32, #tpu.memory_space<vmem>>) semaphore(%arg8 : memref<!tpu.dma_semaphore, #tpu.memory_space<semaphore_mem>>) {add = true}
    %dma_start3A_80 = arith.constant 5 : i32
    %dma_start3A_81 = arith.constant 0 : i32
    %dma_start3A_82 = tpu.memref_slice %arg5[%dma_start3A_80, %dma_start3A_81] : memref<80x128xi32, #tpu.memory_space<vmem>> -> memref<1x128xi32, #tpu.memory_space<vmem>>
    %dma_start3A_83 = tpu.memref_squeeze %dma_start3A_82 : memref<1x128xi32, #tpu.memory_space<vmem>> -> memref<128xi32, #tpu.memory_space<vmem>>
    %dma_start3A_84 = arith.constant 0 : i32
    %dma_start3A_85 = tpu.memref_slice %arg7[%dma_start3A_84] : memref<10240xf32, #tpu.memory_space<vmem_shared>> -> memref<10240xf32, #tpu.memory_space<vmem_shared>>
    tpu.enqueue_indirect_dma source(%arg6 : memref<128xf32, #tpu.memory_space<vmem>>) target(%dma_start3A_85 : memref<10240xf32, #tpu.memory_space<vmem_shared>>) offsets(%dma_start3A_83 : memref<128xi32, #tpu.memory_space<vmem>>) semaphore(%arg8 : memref<!tpu.dma_semaphore, #tpu.memory_space<semaphore_mem>>) {add = true}
    %dma_start3A_86 = arith.constant 6 : i32
    %dma_start3A_87 = arith.constant 0 : i32
    %dma_start3A_88 = tpu.memref_slice %arg5[%dma_start3A_86, %dma_start3A_87] : memref<80x128xi32, #tpu.memory_space<vmem>> -> memref<1x128xi32, #tpu.memory_space<vmem>>
    %dma_start3A_89 = tpu.memref_squeeze %dma_start3A_88 : memref<1x128xi32, #tpu.memory_space<vmem>> -> memref<128xi32, #tpu.memory_space<vmem>>
    %dma_start3A_90 = arith.constant 0 : i32
    %dma_start3A_91 = tpu.memref_slice %arg7[%dma_start3A_90] : memref<10240xf32, #tpu.memory_space<vmem_shared>> -> memref<10240xf32, #tpu.memory_space<vmem_shared>>
    tpu.enqueue_indirect_dma source(%arg6 : memref<128xf32, #tpu.memory_space<vmem>>) target(%dma_start3A_91 : memref<10240xf32, #tpu.memory_space<vmem_shared>>) offsets(%dma_start3A_89 : memref<128xi32, #tpu.memory_space<vmem>>) semaphore(%arg8 : memref<!tpu.dma_semaphore, #tpu.memory_space<semaphore_mem>>) {add = true}
    %dma_start3A_92 = arith.constant 7 : i32
    %dma_start3A_93 = arith.constant 0 : i32
    %dma_start3A_94 = tpu.memref_slice %arg5[%dma_start3A_92, %dma_start3A_93] : memref<80x128xi32, #tpu.memory_space<vmem>> -> memref<1x128xi32, #tpu.memory_space<vmem>>
    %dma_start3A_95 = tpu.memref_squeeze %dma_start3A_94 : memref<1x128xi32, #tpu.memory_space<vmem>> -> memref<128xi32, #tpu.memory_space<vmem>>
    %dma_start3A_96 = arith.constant 0 : i32
    %dma_start3A_97 = tpu.memref_slice %arg7[%dma_start3A_96] : memref<10240xf32, #tpu.memory_space<vmem_shared>> -> memref<10240xf32, #tpu.memory_space<vmem_shared>>
    tpu.enqueue_indirect_dma source(%arg6 : memref<128xf32, #tpu.memory_space<vmem>>) target(%dma_start3A_97 : memref<10240xf32, #tpu.memory_space<vmem_shared>>) offsets(%dma_start3A_95 : memref<128xi32, #tpu.memory_space<vmem>>) semaphore(%arg8 : memref<!tpu.dma_semaphore, #tpu.memory_space<semaphore_mem>>) {add = true}
    %dma_start3A_98 = arith.constant 8 : i32
    %dma_start3A_99 = arith.constant 0 : i32
    %dma_start3A_100 = tpu.memref_slice %arg5[%dma_start3A_98, %dma_start3A_99] : memref<80x128xi32, #tpu.memory_space<vmem>> -> memref<1x128xi32, #tpu.memory_space<vmem>>
    %dma_start3A_101 = tpu.memref_squeeze %dma_start3A_100 : memref<1x128xi32, #tpu.memory_space<vmem>> -> memref<128xi32, #tpu.memory_space<vmem>>
    %dma_start3A_102 = arith.constant 0 : i32
    %dma_start3A_103 = tpu.memref_slice %arg7[%dma_start3A_102] : memref<10240xf32, #tpu.memory_space<vmem_shared>> -> memref<10240xf32, #tpu.memory_space<vmem_shared>>
    tpu.enqueue_indirect_dma source(%arg6 : memref<128xf32, #tpu.memory_space<vmem>>) target(%dma_start3A_103 : memref<10240xf32, #tpu.memory_space<vmem_shared>>) offsets(%dma_start3A_101 : memref<128xi32, #tpu.memory_space<vmem>>) semaphore(%arg8 : memref<!tpu.dma_semaphore, #tpu.memory_space<semaphore_mem>>) {add = true}
    %dma_start3A_104 = arith.constant 9 : i32
    %dma_start3A_105 = arith.constant 0 : i32
    %dma_start3A_106 = tpu.memref_slice %arg5[%dma_start3A_104, %dma_start3A_105] : memref<80x128xi32, #tpu.memory_space<vmem>> -> memref<1x128xi32, #tpu.memory_space<vmem>>
    %dma_start3A_107 = tpu.memref_squeeze %dma_start3A_106 : memref<1x128xi32, #tpu.memory_space<vmem>> -> memref<128xi32, #tpu.memory_space<vmem>>
    %dma_start3A_108 = arith.constant 0 : i32
    %dma_start3A_109 = tpu.memref_slice %arg7[%dma_start3A_108] : memref<10240xf32, #tpu.memory_space<vmem_shared>> -> memref<10240xf32, #tpu.memory_space<vmem_shared>>
    tpu.enqueue_indirect_dma source(%arg6 : memref<128xf32, #tpu.memory_space<vmem>>) target(%dma_start3A_109 : memref<10240xf32, #tpu.memory_space<vmem_shared>>) offsets(%dma_start3A_107 : memref<128xi32, #tpu.memory_space<vmem>>) semaphore(%arg8 : memref<!tpu.dma_semaphore, #tpu.memory_space<semaphore_mem>>) {add = true}
    %dma_start3A_110 = arith.constant 10 : i32
    %dma_start3A_111 = arith.constant 0 : i32
    %dma_start3A_112 = tpu.memref_slice %arg5[%dma_start3A_110, %dma_start3A_111] : memref<80x128xi32, #tpu.memory_space<vmem>> -> memref<1x128xi32, #tpu.memory_space<vmem>>
    %dma_start3A_113 = tpu.memref_squeeze %dma_start3A_112 : memref<1x128xi32, #tpu.memory_space<vmem>> -> memref<128xi32, #tpu.memory_space<vmem>>
    %dma_start3A_114 = arith.constant 0 : i32
    %dma_start3A_115 = tpu.memref_slice %arg7[%dma_start3A_114] : memref<10240xf32, #tpu.memory_space<vmem_shared>> -> memref<10240xf32, #tpu.memory_space<vmem_shared>>
    tpu.enqueue_indirect_dma source(%arg6 : memref<128xf32, #tpu.memory_space<vmem>>) target(%dma_start3A_115 : memref<10240xf32, #tpu.memory_space<vmem_shared>>) offsets(%dma_start3A_113 : memref<128xi32, #tpu.memory_space<vmem>>) semaphore(%arg8 : memref<!tpu.dma_semaphore, #tpu.memory_space<semaphore_mem>>) {add = true}
    %dma_start3A_116 = arith.constant 11 : i32
    %dma_start3A_117 = arith.constant 0 : i32
    %dma_start3A_118 = tpu.memref_slice %arg5[%dma_start3A_116, %dma_start3A_117] : memref<80x128xi32, #tpu.memory_space<vmem>> -> memref<1x128xi32, #tpu.memory_space<vmem>>
    %dma_start3A_119 = tpu.memref_squeeze %dma_start3A_118 : memref<1x128xi32, #tpu.memory_space<vmem>> -> memref<128xi32, #tpu.memory_space<vmem>>
    %dma_start3A_120 = arith.constant 0 : i32
    %dma_start3A_121 = tpu.memref_slice %arg7[%dma_start3A_120] : memref<10240xf32, #tpu.memory_space<vmem_shared>> -> memref<10240xf32, #tpu.memory_space<vmem_shared>>
    tpu.enqueue_indirect_dma source(%arg6 : memref<128xf32, #tpu.memory_space<vmem>>) target(%dma_start3A_121 : memref<10240xf32, #tpu.memory_space<vmem_shared>>) offsets(%dma_start3A_119 : memref<128xi32, #tpu.memory_space<vmem>>) semaphore(%arg8 : memref<!tpu.dma_semaphore, #tpu.memory_space<semaphore_mem>>) {add = true}
    %dma_start3A_122 = arith.constant 12 : i32
    %dma_start3A_123 = arith.constant 0 : i32
    %dma_start3A_124 = tpu.memref_slice %arg5[%dma_start3A_122, %dma_start3A_123] : memref<80x128xi32, #tpu.memory_space<vmem>> -> memref<1x128xi32, #tpu.memory_space<vmem>>
    %dma_start3A_125 = tpu.memref_squeeze %dma_start3A_124 : memref<1x128xi32, #tpu.memory_space<vmem>> -> memref<128xi32, #tpu.memory_space<vmem>>
    %dma_start3A_126 = arith.constant 0 : i32
    %dma_start3A_127 = tpu.memref_slice %arg7[%dma_start3A_126] : memref<10240xf32, #tpu.memory_space<vmem_shared>> -> memref<10240xf32, #tpu.memory_space<vmem_shared>>
    tpu.enqueue_indirect_dma source(%arg6 : memref<128xf32, #tpu.memory_space<vmem>>) target(%dma_start3A_127 : memref<10240xf32, #tpu.memory_space<vmem_shared>>) offsets(%dma_start3A_125 : memref<128xi32, #tpu.memory_space<vmem>>) semaphore(%arg8 : memref<!tpu.dma_semaphore, #tpu.memory_space<semaphore_mem>>) {add = true}
    %dma_start3A_128 = arith.constant 13 : i32
    %dma_start3A_129 = arith.constant 0 : i32
    %dma_start3A_130 = tpu.memref_slice %arg5[%dma_start3A_128, %dma_start3A_129] : memref<80x128xi32, #tpu.memory_space<vmem>> -> memref<1x128xi32, #tpu.memory_space<vmem>>
    %dma_start3A_131 = tpu.memref_squeeze %dma_start3A_130 : memref<1x128xi32, #tpu.memory_space<vmem>> -> memref<128xi32, #tpu.memory_space<vmem>>
    %dma_start3A_132 = arith.constant 0 : i32
    %dma_start3A_133 = tpu.memref_slice %arg7[%dma_start3A_132] : memref<10240xf32, #tpu.memory_space<vmem_shared>> -> memref<10240xf32, #tpu.memory_space<vmem_shared>>
    tpu.enqueue_indirect_dma source(%arg6 : memref<128xf32, #tpu.memory_space<vmem>>) target(%dma_start3A_133 : memref<10240xf32, #tpu.memory_space<vmem_shared>>) offsets(%dma_start3A_131 : memref<128xi32, #tpu.memory_space<vmem>>) semaphore(%arg8 : memref<!tpu.dma_semaphore, #tpu.memory_space<semaphore_mem>>) {add = true}
    %dma_start3A_134 = arith.constant 14 : i32
    %dma_start3A_135 = arith.constant 0 : i32
    %dma_start3A_136 = tpu.memref_slice %arg5[%dma_start3A_134, %dma_start3A_135] : memref<80x128xi32, #tpu.memory_space<vmem>> -> memref<1x128xi32, #tpu.memory_space<vmem>>
    %dma_start3A_137 = tpu.memref_squeeze %dma_start3A_136 : memref<1x128xi32, #tpu.memory_space<vmem>> -> memref<128xi32, #tpu.memory_space<vmem>>
    %dma_start3A_138 = arith.constant 0 : i32
    %dma_start3A_139 = tpu.memref_slice %arg7[%dma_start3A_138] : memref<10240xf32, #tpu.memory_space<vmem_shared>> -> memref<10240xf32, #tpu.memory_space<vmem_shared>>
    tpu.enqueue_indirect_dma source(%arg6 : memref<128xf32, #tpu.memory_space<vmem>>) target(%dma_start3A_139 : memref<10240xf32, #tpu.memory_space<vmem_shared>>) offsets(%dma_start3A_137 : memref<128xi32, #tpu.memory_space<vmem>>) semaphore(%arg8 : memref<!tpu.dma_semaphore, #tpu.memory_space<semaphore_mem>>) {add = true}
    %dma_start3A_140 = arith.constant 15 : i32
    %dma_start3A_141 = arith.constant 0 : i32
    %dma_start3A_142 = tpu.memref_slice %arg5[%dma_start3A_140, %dma_start3A_141] : memref<80x128xi32, #tpu.memory_space<vmem>> -> memref<1x128xi32, #tpu.memory_space<vmem>>
    %dma_start3A_143 = tpu.memref_squeeze %dma_start3A_142 : memref<1x128xi32, #tpu.memory_space<vmem>> -> memref<128xi32, #tpu.memory_space<vmem>>
    %dma_start3A_144 = arith.constant 0 : i32
    %dma_start3A_145 = tpu.memref_slice %arg7[%dma_start3A_144] : memref<10240xf32, #tpu.memory_space<vmem_shared>> -> memref<10240xf32, #tpu.memory_space<vmem_shared>>
    tpu.enqueue_indirect_dma source(%arg6 : memref<128xf32, #tpu.memory_space<vmem>>) target(%dma_start3A_145 : memref<10240xf32, #tpu.memory_space<vmem_shared>>) offsets(%dma_start3A_143 : memref<128xi32, #tpu.memory_space<vmem>>) semaphore(%arg8 : memref<!tpu.dma_semaphore, #tpu.memory_space<semaphore_mem>>) {add = true}
    %scan3A = arith.constant 0 : i32
    %scan3A_146 = arith.constant 0 : i32
    %scan3A_147 = arith.constant 64 : i32
    %scan3A_148 = arith.addi %scan3A_146, %scan3A_147 : i32
    %scan3A_149 = arith.constant 1 : i32
    scf.for %scan3A_162 = %scan3A_146 to %scan3A_148 step %scan3A_149  : i32 {
      %dma_wait3A = arith.constant 0 : i32
      %dma_wait3A_163 = arith.constant 0 : i32
      %dma_wait3A_164 = tpu.memref_slice %arg5[%dma_wait3A, %dma_wait3A_163] : memref<80x128xi32, #tpu.memory_space<vmem>> -> memref<1x128xi32, #tpu.memory_space<vmem>>
      %dma_wait3A_165 = tpu.memref_squeeze %dma_wait3A_164 : memref<1x128xi32, #tpu.memory_space<vmem>> -> memref<128xi32, #tpu.memory_space<vmem>>
      %dma_wait3A_166 = arith.constant 0 : i32
      %dma_wait3A_167 = tpu.memref_slice %arg7[%dma_wait3A_166] : memref<10240xf32, #tpu.memory_space<vmem_shared>> -> memref<10240xf32, #tpu.memory_space<vmem_shared>>
      tpu.wait_indirect_dma semaphore(%arg8 : memref<!tpu.dma_semaphore, #tpu.memory_space<semaphore_mem>>) src(%arg6 : memref<128xf32, #tpu.memory_space<vmem>>) dst(%dma_wait3A_167 : memref<10240xf32, #tpu.memory_space<vmem_shared>>)
      %add3A_168 = arith.constant 16 : i32
      %add3A_169 = arith.addi %scan3A_162, %add3A_168 : i32
      %dma_start3A_170 = arith.constant 0 : i32
      %dma_start3A_171 = tpu.memref_slice %arg5[%add3A_169, %dma_start3A_170] : memref<80x128xi32, #tpu.memory_space<vmem>> -> memref<1x128xi32, #tpu.memory_space<vmem>>
      %dma_start3A_172 = tpu.memref_squeeze %dma_start3A_171 : memref<1x128xi32, #tpu.memory_space<vmem>> -> memref<128xi32, #tpu.memory_space<vmem>>
      %dma_start3A_173 = arith.constant 0 : i32
      %dma_start3A_174 = tpu.memref_slice %arg7[%dma_start3A_173] : memref<10240xf32, #tpu.memory_space<vmem_shared>> -> memref<10240xf32, #tpu.memory_space<vmem_shared>>
      tpu.enqueue_indirect_dma source(%arg6 : memref<128xf32, #tpu.memory_space<vmem>>) target(%dma_start3A_174 : memref<10240xf32, #tpu.memory_space<vmem_shared>>) offsets(%dma_start3A_172 : memref<128xi32, #tpu.memory_space<vmem>>) semaphore(%arg8 : memref<!tpu.dma_semaphore, #tpu.memory_space<semaphore_mem>>) {add = true}
    }
    %scan3A_150 = arith.constant 64 : i32
    %scan3A_151 = arith.constant 0 : i32
    %scan3A_152 = arith.constant 0 : i32
    %scan3A_153 = arith.constant 16 : i32
    %scan3A_154 = arith.addi %scan3A_152, %scan3A_153 : i32
    %scan3A_155 = arith.constant 1 : i32
    scf.for %scan3A_162 = %scan3A_152 to %scan3A_154 step %scan3A_155  : i32 {
      %dma_wait3A = arith.constant 0 : i32
      %dma_wait3A_163 = arith.constant 0 : i32
      %dma_wait3A_164 = tpu.memref_slice %arg5[%dma_wait3A, %dma_wait3A_163] : memref<80x128xi32, #tpu.memory_space<vmem>> -> memref<1x128xi32, #tpu.memory_space<vmem>>
      %dma_wait3A_165 = tpu.memref_squeeze %dma_wait3A_164 : memref<1x128xi32, #tpu.memory_space<vmem>> -> memref<128xi32, #tpu.memory_space<vmem>>
      %dma_wait3A_166 = arith.constant 0 : i32
      %dma_wait3A_167 = tpu.memref_slice %arg7[%dma_wait3A_166] : memref<10240xf32, #tpu.memory_space<vmem_shared>> -> memref<10240xf32, #tpu.memory_space<vmem_shared>>
      tpu.wait_indirect_dma semaphore(%arg8 : memref<!tpu.dma_semaphore, #tpu.memory_space<semaphore_mem>>) src(%arg6 : memref<128xf32, #tpu.memory_space<vmem>>) dst(%dma_wait3A_167 : memref<10240xf32, #tpu.memory_space<vmem_shared>>)
    }
    %scan3A_156 = arith.constant 16 : i32
    %barrier3A_157 = arith.constant 0 : index
    tpu.barrier barrier_id(%barrier3A_157)
    %mul3A_158 = arith.constant 640 : i32
    %mul3A_159 = arith.muli %arg1, %mul3A_158 : i32
    %mul3A_160 = arith.constant 640 : i32
    %mul3A_161 = arith.muli %arg1, %mul3A_160 : i32
    "tpu.region"() ({
      %run_scoped3A = tpu.sem_alloc : memref<!tpu.dma_semaphore, #tpu.memory_space<semaphore_mem>>
      %dma_start3A_162 = tpu.memref_slice %arg4[%arg0, %mul3A_161] : memref<2x10240xf32, #tpu.memory_space<hbm>> -> memref<1x640xf32, #tpu.memory_space<hbm>>
      %dma_start3A_163 = tpu.memref_squeeze %dma_start3A_162 : memref<1x640xf32, #tpu.memory_space<hbm>> -> memref<640xf32, #tpu.memory_space<hbm>>
      %dma_start3A_164 = tpu.memref_slice %arg7[%mul3A_159] : memref<10240xf32, #tpu.memory_space<vmem_shared>> -> memref<640xf32, #tpu.memory_space<vmem_shared>>
      tpu.enqueue_dma source(%dma_start3A_164 : memref<640xf32, #tpu.memory_space<vmem_shared>>) target(%dma_start3A_163 : memref<640xf32, #tpu.memory_space<hbm>>) target_semaphore(%run_scoped3A : memref<!tpu.dma_semaphore, #tpu.memory_space<semaphore_mem>>)
      %dma_wait3A = tpu.memref_slice %arg4[%arg0, %mul3A_161] : memref<2x10240xf32, #tpu.memory_space<hbm>> -> memref<1x640xf32, #tpu.memory_space<hbm>>
      %dma_wait3A_165 = tpu.memref_squeeze %dma_wait3A : memref<1x640xf32, #tpu.memory_space<hbm>> -> memref<640xf32, #tpu.memory_space<hbm>>
      %dma_wait3A_166 = tpu.memref_slice %arg7[%mul3A_159] : memref<10240xf32, #tpu.memory_space<vmem_shared>> -> memref<640xf32, #tpu.memory_space<vmem_shared>>
      tpu.wait_dma2 semaphore(%run_scoped3A : memref<!tpu.dma_semaphore, #tpu.memory_space<semaphore_mem>>) src(%dma_wait3A_166 : memref<640xf32, #tpu.memory_space<vmem_shared>>) dst(%dma_wait3A_165 : memref<640xf32, #tpu.memory_space<hbm>>)
      tpu.yield
    }) : () -> ()
    return
  }
}

#map = affine_map<(d0, d1) -> (0, 0)>
#map1 = affine_map<(d0, d1) -> (0, 0, 0)>
module attributes {stable_mosaic.version = 14 : i64} {
  func.func @_agg_body(%arg0: i32, %arg1: i32, %arg2: memref<10240x128xf32, #tpu.memory_space<hbm>>, %arg3: memref<2560x128xi32, #tpu.memory_space<hbm>>, %arg4: memref<2560x128xi32, #tpu.memory_space<hbm>>, %arg5: memref<128x128xf32, #tpu.memory_space<hbm>>, %arg6: memref<2x10240x128xf32, #tpu.memory_space<hbm>>, %arg7: memref<40x128xi32, #tpu.memory_space<vmem>>, %arg8: memref<40x128xi32, #tpu.memory_space<vmem>>, %arg9: memref<128x128xf32, #tpu.memory_space<vmem>>, %arg10: memref<128x128xf32, #tpu.memory_space<vmem>>, %arg11: memref<10240x128xf32, #tpu.memory_space<vmem_shared>>, %arg12: memref<!tpu.dma_semaphore, #tpu.memory_space<semaphore_mem>>, %arg13: memref<!tpu.dma_semaphore, #tpu.memory_space<semaphore_mem>>) attributes {dimension_semantics = [#tpu.dimension_semantics<core_parallel>, #tpu.dimension_semantics<subcore_parallel>], iteration_bounds = array<i64: 2, 16>, scalar_prefetch = 0 : i64, scratch_operands = 7 : i64, tpu.core_type = #tpu.core_type<sc_vector_subcore>, window_params = [{transform_indices = #map}, {transform_indices = #map}, {transform_indices = #map}, {transform_indices = #map}, {transform_indices = #map1}]} {
    %mul3A = arith.constant 2 : i32
    %mul3A_0 = arith.muli %arg1, %mul3A : i32
    %add3A = arith.addi %mul3A_0, %arg0 : i32
    %mul3A_1 = arith.constant 640 : i32
    %mul3A_2 = arith.muli %arg1, %mul3A_1 : i32
    %multiple_of3A = tpu.assume_multiple %mul3A_2, 8 : i32
    "tpu.region"() ({
      %run_scoped3A_96 = tpu.sem_alloc : memref<!tpu.dma_semaphore, #tpu.memory_space<semaphore_mem>>
      tpu.enqueue_dma source(%arg5 : memref<128x128xf32, #tpu.memory_space<hbm>>) target(%arg9 : memref<128x128xf32, #tpu.memory_space<vmem>>) target_semaphore(%run_scoped3A_96 : memref<!tpu.dma_semaphore, #tpu.memory_space<semaphore_mem>>)
      tpu.wait_dma2 semaphore(%run_scoped3A_96 : memref<!tpu.dma_semaphore, #tpu.memory_space<semaphore_mem>>) src(%arg5 : memref<128x128xf32, #tpu.memory_space<hbm>>) dst(%arg9 : memref<128x128xf32, #tpu.memory_space<vmem>>)
      tpu.yield
    }) : () -> ()
    %add3A_3 = arith.constant 0 : i32
    %add3A_4 = arith.addi %multiple_of3A, %add3A_3 : i32
    "tpu.region"() ({
      %run_scoped3A_96 = tpu.sem_alloc : memref<!tpu.dma_semaphore, #tpu.memory_space<semaphore_mem>>
      %dma_start3A_97 = arith.constant 0 : i32
      %dma_start3A_98 = tpu.memref_slice %arg11[%add3A_4, %dma_start3A_97] : memref<10240x128xf32, #tpu.memory_space<vmem_shared>> -> memref<128x128xf32, #tpu.memory_space<vmem_shared>>
      %dma_start3A_99 = arith.constant 0 : i32
      %dma_start3A_100 = tpu.memref_slice %arg11[%add3A_4, %dma_start3A_99] : memref<10240x128xf32, #tpu.memory_space<vmem_shared>> -> memref<128x128xf32, #tpu.memory_space<vmem_shared>>
      tpu.enqueue_dma source(%arg9 : memref<128x128xf32, #tpu.memory_space<vmem>>) target(%dma_start3A_100 : memref<128x128xf32, #tpu.memory_space<vmem_shared>>) target_semaphore(%run_scoped3A_96 : memref<!tpu.dma_semaphore, #tpu.memory_space<semaphore_mem>>)
      %dma_wait3A_101 = arith.constant 0 : i32
      %dma_wait3A_102 = tpu.memref_slice %arg11[%add3A_4, %dma_wait3A_101] : memref<10240x128xf32, #tpu.memory_space<vmem_shared>> -> memref<128x128xf32, #tpu.memory_space<vmem_shared>>
      %dma_wait3A_103 = arith.constant 0 : i32
      %dma_wait3A_104 = tpu.memref_slice %arg11[%add3A_4, %dma_wait3A_103] : memref<10240x128xf32, #tpu.memory_space<vmem_shared>> -> memref<128x128xf32, #tpu.memory_space<vmem_shared>>
      tpu.wait_dma2 semaphore(%run_scoped3A_96 : memref<!tpu.dma_semaphore, #tpu.memory_space<semaphore_mem>>) src(%arg9 : memref<128x128xf32, #tpu.memory_space<vmem>>) dst(%dma_wait3A_104 : memref<128x128xf32, #tpu.memory_space<vmem_shared>>)
      tpu.yield
    }) : () -> ()
    %add3A_5 = arith.constant 128 : i32
    %add3A_6 = arith.addi %multiple_of3A, %add3A_5 : i32
    "tpu.region"() ({
      %run_scoped3A_96 = tpu.sem_alloc : memref<!tpu.dma_semaphore, #tpu.memory_space<semaphore_mem>>
      %dma_start3A_97 = arith.constant 0 : i32
      %dma_start3A_98 = tpu.memref_slice %arg11[%add3A_6, %dma_start3A_97] : memref<10240x128xf32, #tpu.memory_space<vmem_shared>> -> memref<128x128xf32, #tpu.memory_space<vmem_shared>>
      %dma_start3A_99 = arith.constant 0 : i32
      %dma_start3A_100 = tpu.memref_slice %arg11[%add3A_6, %dma_start3A_99] : memref<10240x128xf32, #tpu.memory_space<vmem_shared>> -> memref<128x128xf32, #tpu.memory_space<vmem_shared>>
      tpu.enqueue_dma source(%arg9 : memref<128x128xf32, #tpu.memory_space<vmem>>) target(%dma_start3A_100 : memref<128x128xf32, #tpu.memory_space<vmem_shared>>) target_semaphore(%run_scoped3A_96 : memref<!tpu.dma_semaphore, #tpu.memory_space<semaphore_mem>>)
      %dma_wait3A_101 = arith.constant 0 : i32
      %dma_wait3A_102 = tpu.memref_slice %arg11[%add3A_6, %dma_wait3A_101] : memref<10240x128xf32, #tpu.memory_space<vmem_shared>> -> memref<128x128xf32, #tpu.memory_space<vmem_shared>>
      %dma_wait3A_103 = arith.constant 0 : i32
      %dma_wait3A_104 = tpu.memref_slice %arg11[%add3A_6, %dma_wait3A_103] : memref<10240x128xf32, #tpu.memory_space<vmem_shared>> -> memref<128x128xf32, #tpu.memory_space<vmem_shared>>
      tpu.wait_dma2 semaphore(%run_scoped3A_96 : memref<!tpu.dma_semaphore, #tpu.memory_space<semaphore_mem>>) src(%arg9 : memref<128x128xf32, #tpu.memory_space<vmem>>) dst(%dma_wait3A_104 : memref<128x128xf32, #tpu.memory_space<vmem_shared>>)
      tpu.yield
    }) : () -> ()
    %add3A_7 = arith.constant 256 : i32
    %add3A_8 = arith.addi %multiple_of3A, %add3A_7 : i32
    "tpu.region"() ({
      %run_scoped3A_96 = tpu.sem_alloc : memref<!tpu.dma_semaphore, #tpu.memory_space<semaphore_mem>>
      %dma_start3A_97 = arith.constant 0 : i32
      %dma_start3A_98 = tpu.memref_slice %arg11[%add3A_8, %dma_start3A_97] : memref<10240x128xf32, #tpu.memory_space<vmem_shared>> -> memref<128x128xf32, #tpu.memory_space<vmem_shared>>
      %dma_start3A_99 = arith.constant 0 : i32
      %dma_start3A_100 = tpu.memref_slice %arg11[%add3A_8, %dma_start3A_99] : memref<10240x128xf32, #tpu.memory_space<vmem_shared>> -> memref<128x128xf32, #tpu.memory_space<vmem_shared>>
      tpu.enqueue_dma source(%arg9 : memref<128x128xf32, #tpu.memory_space<vmem>>) target(%dma_start3A_100 : memref<128x128xf32, #tpu.memory_space<vmem_shared>>) target_semaphore(%run_scoped3A_96 : memref<!tpu.dma_semaphore, #tpu.memory_space<semaphore_mem>>)
      %dma_wait3A_101 = arith.constant 0 : i32
      %dma_wait3A_102 = tpu.memref_slice %arg11[%add3A_8, %dma_wait3A_101] : memref<10240x128xf32, #tpu.memory_space<vmem_shared>> -> memref<128x128xf32, #tpu.memory_space<vmem_shared>>
      %dma_wait3A_103 = arith.constant 0 : i32
      %dma_wait3A_104 = tpu.memref_slice %arg11[%add3A_8, %dma_wait3A_103] : memref<10240x128xf32, #tpu.memory_space<vmem_shared>> -> memref<128x128xf32, #tpu.memory_space<vmem_shared>>
      tpu.wait_dma2 semaphore(%run_scoped3A_96 : memref<!tpu.dma_semaphore, #tpu.memory_space<semaphore_mem>>) src(%arg9 : memref<128x128xf32, #tpu.memory_space<vmem>>) dst(%dma_wait3A_104 : memref<128x128xf32, #tpu.memory_space<vmem_shared>>)
      tpu.yield
    }) : () -> ()
    %add3A_9 = arith.constant 384 : i32
    %add3A_10 = arith.addi %multiple_of3A, %add3A_9 : i32
    "tpu.region"() ({
      %run_scoped3A_96 = tpu.sem_alloc : memref<!tpu.dma_semaphore, #tpu.memory_space<semaphore_mem>>
      %dma_start3A_97 = arith.constant 0 : i32
      %dma_start3A_98 = tpu.memref_slice %arg11[%add3A_10, %dma_start3A_97] : memref<10240x128xf32, #tpu.memory_space<vmem_shared>> -> memref<128x128xf32, #tpu.memory_space<vmem_shared>>
      %dma_start3A_99 = arith.constant 0 : i32
      %dma_start3A_100 = tpu.memref_slice %arg11[%add3A_10, %dma_start3A_99] : memref<10240x128xf32, #tpu.memory_space<vmem_shared>> -> memref<128x128xf32, #tpu.memory_space<vmem_shared>>
      tpu.enqueue_dma source(%arg9 : memref<128x128xf32, #tpu.memory_space<vmem>>) target(%dma_start3A_100 : memref<128x128xf32, #tpu.memory_space<vmem_shared>>) target_semaphore(%run_scoped3A_96 : memref<!tpu.dma_semaphore, #tpu.memory_space<semaphore_mem>>)
      %dma_wait3A_101 = arith.constant 0 : i32
      %dma_wait3A_102 = tpu.memref_slice %arg11[%add3A_10, %dma_wait3A_101] : memref<10240x128xf32, #tpu.memory_space<vmem_shared>> -> memref<128x128xf32, #tpu.memory_space<vmem_shared>>
      %dma_wait3A_103 = arith.constant 0 : i32
      %dma_wait3A_104 = tpu.memref_slice %arg11[%add3A_10, %dma_wait3A_103] : memref<10240x128xf32, #tpu.memory_space<vmem_shared>> -> memref<128x128xf32, #tpu.memory_space<vmem_shared>>
      tpu.wait_dma2 semaphore(%run_scoped3A_96 : memref<!tpu.dma_semaphore, #tpu.memory_space<semaphore_mem>>) src(%arg9 : memref<128x128xf32, #tpu.memory_space<vmem>>) dst(%dma_wait3A_104 : memref<128x128xf32, #tpu.memory_space<vmem_shared>>)
      tpu.yield
    }) : () -> ()
    %add3A_11 = arith.constant 512 : i32
    %add3A_12 = arith.addi %multiple_of3A, %add3A_11 : i32
    "tpu.region"() ({
      %run_scoped3A_96 = tpu.sem_alloc : memref<!tpu.dma_semaphore, #tpu.memory_space<semaphore_mem>>
      %dma_start3A_97 = arith.constant 0 : i32
      %dma_start3A_98 = tpu.memref_slice %arg11[%add3A_12, %dma_start3A_97] : memref<10240x128xf32, #tpu.memory_space<vmem_shared>> -> memref<128x128xf32, #tpu.memory_space<vmem_shared>>
      %dma_start3A_99 = arith.constant 0 : i32
      %dma_start3A_100 = tpu.memref_slice %arg11[%add3A_12, %dma_start3A_99] : memref<10240x128xf32, #tpu.memory_space<vmem_shared>> -> memref<128x128xf32, #tpu.memory_space<vmem_shared>>
      tpu.enqueue_dma source(%arg9 : memref<128x128xf32, #tpu.memory_space<vmem>>) target(%dma_start3A_100 : memref<128x128xf32, #tpu.memory_space<vmem_shared>>) target_semaphore(%run_scoped3A_96 : memref<!tpu.dma_semaphore, #tpu.memory_space<semaphore_mem>>)
      %dma_wait3A_101 = arith.constant 0 : i32
      %dma_wait3A_102 = tpu.memref_slice %arg11[%add3A_12, %dma_wait3A_101] : memref<10240x128xf32, #tpu.memory_space<vmem_shared>> -> memref<128x128xf32, #tpu.memory_space<vmem_shared>>
      %dma_wait3A_103 = arith.constant 0 : i32
      %dma_wait3A_104 = tpu.memref_slice %arg11[%add3A_12, %dma_wait3A_103] : memref<10240x128xf32, #tpu.memory_space<vmem_shared>> -> memref<128x128xf32, #tpu.memory_space<vmem_shared>>
      tpu.wait_dma2 semaphore(%run_scoped3A_96 : memref<!tpu.dma_semaphore, #tpu.memory_space<semaphore_mem>>) src(%arg9 : memref<128x128xf32, #tpu.memory_space<vmem>>) dst(%dma_wait3A_104 : memref<128x128xf32, #tpu.memory_space<vmem_shared>>)
      tpu.yield
    }) : () -> ()
    %barrier3A = arith.constant 0 : index
    tpu.barrier barrier_id(%barrier3A)
    %mul3A_13 = arith.constant 80 : i32
    %mul3A_14 = arith.muli %add3A, %mul3A_13 : i32
    %add3A_15 = arith.constant 0 : i32
    %add3A_16 = arith.addi %mul3A_14, %add3A_15 : i32
    %multiple_of3A_17 = tpu.assume_multiple %add3A_16, 8 : i32
    "tpu.region"() ({
      %run_scoped3A_96 = tpu.sem_alloc : memref<!tpu.dma_semaphore, #tpu.memory_space<semaphore_mem>>
      %dma_start3A_97 = arith.constant 0 : i32
      %dma_start3A_98 = tpu.memref_slice %arg3[%multiple_of3A_17, %dma_start3A_97] : memref<2560x128xi32, #tpu.memory_space<hbm>> -> memref<40x128xi32, #tpu.memory_space<hbm>>
      %dma_start3A_99 = arith.constant 0 : i32
      %dma_start3A_100 = tpu.memref_slice %arg3[%multiple_of3A_17, %dma_start3A_99] : memref<2560x128xi32, #tpu.memory_space<hbm>> -> memref<40x128xi32, #tpu.memory_space<hbm>>
      tpu.enqueue_dma source(%dma_start3A_100 : memref<40x128xi32, #tpu.memory_space<hbm>>) target(%arg7 : memref<40x128xi32, #tpu.memory_space<vmem>>) target_semaphore(%run_scoped3A_96 : memref<!tpu.dma_semaphore, #tpu.memory_space<semaphore_mem>>)
      %dma_wait3A_101 = arith.constant 0 : i32
      %dma_wait3A_102 = tpu.memref_slice %arg3[%multiple_of3A_17, %dma_wait3A_101] : memref<2560x128xi32, #tpu.memory_space<hbm>> -> memref<40x128xi32, #tpu.memory_space<hbm>>
      %dma_wait3A_103 = arith.constant 0 : i32
      %dma_wait3A_104 = tpu.memref_slice %arg3[%multiple_of3A_17, %dma_wait3A_103] : memref<2560x128xi32, #tpu.memory_space<hbm>> -> memref<40x128xi32, #tpu.memory_space<hbm>>
      tpu.wait_dma2 semaphore(%run_scoped3A_96 : memref<!tpu.dma_semaphore, #tpu.memory_space<semaphore_mem>>) src(%dma_wait3A_104 : memref<40x128xi32, #tpu.memory_space<hbm>>) dst(%arg7 : memref<40x128xi32, #tpu.memory_space<vmem>>)
      tpu.yield
    }) : () -> ()
    "tpu.region"() ({
      %run_scoped3A_96 = tpu.sem_alloc : memref<!tpu.dma_semaphore, #tpu.memory_space<semaphore_mem>>
      %dma_start3A_97 = arith.constant 0 : i32
      %dma_start3A_98 = tpu.memref_slice %arg4[%multiple_of3A_17, %dma_start3A_97] : memref<2560x128xi32, #tpu.memory_space<hbm>> -> memref<40x128xi32, #tpu.memory_space<hbm>>
      %dma_start3A_99 = arith.constant 0 : i32
      %dma_start3A_100 = tpu.memref_slice %arg4[%multiple_of3A_17, %dma_start3A_99] : memref<2560x128xi32, #tpu.memory_space<hbm>> -> memref<40x128xi32, #tpu.memory_space<hbm>>
      tpu.enqueue_dma source(%dma_start3A_100 : memref<40x128xi32, #tpu.memory_space<hbm>>) target(%arg8 : memref<40x128xi32, #tpu.memory_space<vmem>>) target_semaphore(%run_scoped3A_96 : memref<!tpu.dma_semaphore, #tpu.memory_space<semaphore_mem>>)
      %dma_wait3A_101 = arith.constant 0 : i32
      %dma_wait3A_102 = tpu.memref_slice %arg4[%multiple_of3A_17, %dma_wait3A_101] : memref<2560x128xi32, #tpu.memory_space<hbm>> -> memref<40x128xi32, #tpu.memory_space<hbm>>
      %dma_wait3A_103 = arith.constant 0 : i32
      %dma_wait3A_104 = tpu.memref_slice %arg4[%multiple_of3A_17, %dma_wait3A_103] : memref<2560x128xi32, #tpu.memory_space<hbm>> -> memref<40x128xi32, #tpu.memory_space<hbm>>
      tpu.wait_dma2 semaphore(%run_scoped3A_96 : memref<!tpu.dma_semaphore, #tpu.memory_space<semaphore_mem>>) src(%dma_wait3A_104 : memref<40x128xi32, #tpu.memory_space<hbm>>) dst(%arg8 : memref<40x128xi32, #tpu.memory_space<vmem>>)
      tpu.yield
    }) : () -> ()
    %dma_start3A = arith.constant 0 : i32
    %dma_start3A_18 = arith.constant 0 : i32
    %dma_start3A_19 = tpu.memref_slice %arg7[%dma_start3A, %dma_start3A_18] : memref<40x128xi32, #tpu.memory_space<vmem>> -> memref<1x128xi32, #tpu.memory_space<vmem>>
    %dma_start3A_20 = tpu.memref_squeeze %dma_start3A_19 : memref<1x128xi32, #tpu.memory_space<vmem>> -> memref<128xi32, #tpu.memory_space<vmem>>
    %dma_start3A_21 = arith.constant 0 : i32
    %dma_start3A_22 = arith.constant 0 : i32
    %dma_start3A_23 = tpu.memref_slice %arg2[%dma_start3A_21, %dma_start3A_22] : memref<10240x128xf32, #tpu.memory_space<hbm>> -> memref<10240x128xf32, #tpu.memory_space<hbm>>
    tpu.enqueue_indirect_dma source(%dma_start3A_23 : memref<10240x128xf32, #tpu.memory_space<hbm>>) target(%arg9 : memref<128x128xf32, #tpu.memory_space<vmem>>) offsets(%dma_start3A_20 : memref<128xi32, #tpu.memory_space<vmem>>) semaphore(%arg12 : memref<!tpu.dma_semaphore, #tpu.memory_space<semaphore_mem>>)
    %scan3A = arith.constant 0 : i32
    %scan3A_24 = arith.constant 0 : i32
    %scan3A_25 = arith.constant 19 : i32
    %scan3A_26 = arith.addi %scan3A_24, %scan3A_25 : i32
    %scan3A_27 = arith.constant 1 : i32
    scf.for %scan3A_96 = %scan3A_24 to %scan3A_26 step %scan3A_27  : i32 {
      %mul3A_97 = arith.constant 2 : i32
      %mul3A_98 = arith.muli %mul3A_97, %scan3A_96 : i32
      %add3A_99 = arith.constant 1 : i32
      %add3A_100 = arith.addi %mul3A_98, %add3A_99 : i32
      %dma_start3A_101 = arith.constant 0 : i32
      %dma_start3A_102 = tpu.memref_slice %arg7[%add3A_100, %dma_start3A_101] : memref<40x128xi32, #tpu.memory_space<vmem>> -> memref<1x128xi32, #tpu.memory_space<vmem>>
      %dma_start3A_103 = tpu.memref_squeeze %dma_start3A_102 : memref<1x128xi32, #tpu.memory_space<vmem>> -> memref<128xi32, #tpu.memory_space<vmem>>
      %dma_start3A_104 = arith.constant 0 : i32
      %dma_start3A_105 = arith.constant 0 : i32
      %dma_start3A_106 = tpu.memref_slice %arg2[%dma_start3A_104, %dma_start3A_105] : memref<10240x128xf32, #tpu.memory_space<hbm>> -> memref<10240x128xf32, #tpu.memory_space<hbm>>
      tpu.enqueue_indirect_dma source(%dma_start3A_106 : memref<10240x128xf32, #tpu.memory_space<hbm>>) target(%arg10 : memref<128x128xf32, #tpu.memory_space<vmem>>) offsets(%dma_start3A_103 : memref<128xi32, #tpu.memory_space<vmem>>) semaphore(%arg13 : memref<!tpu.dma_semaphore, #tpu.memory_space<semaphore_mem>>)
      %dma_wait3A_107 = arith.constant 0 : i32
      %dma_wait3A_108 = tpu.memref_slice %arg7[%mul3A_98, %dma_wait3A_107] : memref<40x128xi32, #tpu.memory_space<vmem>> -> memref<1x128xi32, #tpu.memory_space<vmem>>
      %dma_wait3A_109 = tpu.memref_squeeze %dma_wait3A_108 : memref<1x128xi32, #tpu.memory_space<vmem>> -> memref<128xi32, #tpu.memory_space<vmem>>
      %dma_wait3A_110 = arith.constant 0 : i32
      %dma_wait3A_111 = arith.constant 0 : i32
      %dma_wait3A_112 = tpu.memref_slice %arg2[%dma_wait3A_110, %dma_wait3A_111] : memref<10240x128xf32, #tpu.memory_space<hbm>> -> memref<10240x128xf32, #tpu.memory_space<hbm>>
      tpu.wait_indirect_dma semaphore(%arg12 : memref<!tpu.dma_semaphore, #tpu.memory_space<semaphore_mem>>) src(%dma_wait3A_112 : memref<10240x128xf32, #tpu.memory_space<hbm>>) dst(%arg9 : memref<128x128xf32, #tpu.memory_space<vmem>>)
      "tpu.region"() ({
        %run_scoped3A_131 = tpu.sem_alloc : memref<!tpu.dma_semaphore, #tpu.memory_space<semaphore_mem>>
        %dma_start3A_132 = arith.constant 0 : i32
        %dma_start3A_133 = tpu.memref_slice %arg8[%mul3A_98, %dma_start3A_132] : memref<40x128xi32, #tpu.memory_space<vmem>> -> memref<1x128xi32, #tpu.memory_space<vmem>>
        %dma_start3A_134 = tpu.memref_squeeze %dma_start3A_133 : memref<1x128xi32, #tpu.memory_space<vmem>> -> memref<128xi32, #tpu.memory_space<vmem>>
        %dma_start3A_135 = arith.constant 0 : i32
        %dma_start3A_136 = arith.constant 0 : i32
        %dma_start3A_137 = tpu.memref_slice %arg11[%dma_start3A_135, %dma_start3A_136] : memref<10240x128xf32, #tpu.memory_space<vmem_shared>> -> memref<10240x128xf32, #tpu.memory_space<vmem_shared>>
        tpu.enqueue_indirect_dma source(%arg9 : memref<128x128xf32, #tpu.memory_space<vmem>>) target(%dma_start3A_137 : memref<10240x128xf32, #tpu.memory_space<vmem_shared>>) offsets(%dma_start3A_134 : memref<128xi32, #tpu.memory_space<vmem>>) semaphore(%run_scoped3A_131 : memref<!tpu.dma_semaphore, #tpu.memory_space<semaphore_mem>>) {add = true}
        %dma_wait3A_138 = arith.constant 0 : i32
        %dma_wait3A_139 = tpu.memref_slice %arg8[%mul3A_98, %dma_wait3A_138] : memref<40x128xi32, #tpu.memory_space<vmem>> -> memref<1x128xi32, #tpu.memory_space<vmem>>
        %dma_wait3A_140 = tpu.memref_squeeze %dma_wait3A_139 : memref<1x128xi32, #tpu.memory_space<vmem>> -> memref<128xi32, #tpu.memory_space<vmem>>
        %dma_wait3A_141 = arith.constant 0 : i32
        %dma_wait3A_142 = arith.constant 0 : i32
        %dma_wait3A_143 = tpu.memref_slice %arg11[%dma_wait3A_141, %dma_wait3A_142] : memref<10240x128xf32, #tpu.memory_space<vmem_shared>> -> memref<10240x128xf32, #tpu.memory_space<vmem_shared>>
        tpu.wait_indirect_dma semaphore(%run_scoped3A_131 : memref<!tpu.dma_semaphore, #tpu.memory_space<semaphore_mem>>) src(%arg9 : memref<128x128xf32, #tpu.memory_space<vmem>>) dst(%dma_wait3A_143 : memref<10240x128xf32, #tpu.memory_space<vmem_shared>>)
        tpu.yield
      }) : () -> ()
      %add3A_113 = arith.constant 2 : i32
      %add3A_114 = arith.addi %mul3A_98, %add3A_113 : i32
      %dma_start3A_115 = arith.constant 0 : i32
      %dma_start3A_116 = tpu.memref_slice %arg7[%add3A_114, %dma_start3A_115] : memref<40x128xi32, #tpu.memory_space<vmem>> -> memref<1x128xi32, #tpu.memory_space<vmem>>
      %dma_start3A_117 = tpu.memref_squeeze %dma_start3A_116 : memref<1x128xi32, #tpu.memory_space<vmem>> -> memref<128xi32, #tpu.memory_space<vmem>>
      %dma_start3A_118 = arith.constant 0 : i32
      %dma_start3A_119 = arith.constant 0 : i32
      %dma_start3A_120 = tpu.memref_slice %arg2[%dma_start3A_118, %dma_start3A_119] : memref<10240x128xf32, #tpu.memory_space<hbm>> -> memref<10240x128xf32, #tpu.memory_space<hbm>>
      tpu.enqueue_indirect_dma source(%dma_start3A_120 : memref<10240x128xf32, #tpu.memory_space<hbm>>) target(%arg9 : memref<128x128xf32, #tpu.memory_space<vmem>>) offsets(%dma_start3A_117 : memref<128xi32, #tpu.memory_space<vmem>>) semaphore(%arg12 : memref<!tpu.dma_semaphore, #tpu.memory_space<semaphore_mem>>)
      %add3A_121 = arith.constant 1 : i32
      %add3A_122 = arith.addi %mul3A_98, %add3A_121 : i32
      %dma_wait3A_123 = arith.constant 0 : i32
      %dma_wait3A_124 = tpu.memref_slice %arg7[%add3A_122, %dma_wait3A_123] : memref<40x128xi32, #tpu.memory_space<vmem>> -> memref<1x128xi32, #tpu.memory_space<vmem>>
      %dma_wait3A_125 = tpu.memref_squeeze %dma_wait3A_124 : memref<1x128xi32, #tpu.memory_space<vmem>> -> memref<128xi32, #tpu.memory_space<vmem>>
      %dma_wait3A_126 = arith.constant 0 : i32
      %dma_wait3A_127 = arith.constant 0 : i32
      %dma_wait3A_128 = tpu.memref_slice %arg2[%dma_wait3A_126, %dma_wait3A_127] : memref<10240x128xf32, #tpu.memory_space<hbm>> -> memref<10240x128xf32, #tpu.memory_space<hbm>>
      tpu.wait_indirect_dma semaphore(%arg13 : memref<!tpu.dma_semaphore, #tpu.memory_space<semaphore_mem>>) src(%dma_wait3A_128 : memref<10240x128xf32, #tpu.memory_space<hbm>>) dst(%arg10 : memref<128x128xf32, #tpu.memory_space<vmem>>)
      %add3A_129 = arith.constant 1 : i32
      %add3A_130 = arith.addi %mul3A_98, %add3A_129 : i32
      "tpu.region"() ({
        %run_scoped3A_131 = tpu.sem_alloc : memref<!tpu.dma_semaphore, #tpu.memory_space<semaphore_mem>>
        %dma_start3A_132 = arith.constant 0 : i32
        %dma_start3A_133 = tpu.memref_slice %arg8[%add3A_130, %dma_start3A_132] : memref<40x128xi32, #tpu.memory_space<vmem>> -> memref<1x128xi32, #tpu.memory_space<vmem>>
        %dma_start3A_134 = tpu.memref_squeeze %dma_start3A_133 : memref<1x128xi32, #tpu.memory_space<vmem>> -> memref<128xi32, #tpu.memory_space<vmem>>
        %dma_start3A_135 = arith.constant 0 : i32
        %dma_start3A_136 = arith.constant 0 : i32
        %dma_start3A_137 = tpu.memref_slice %arg11[%dma_start3A_135, %dma_start3A_136] : memref<10240x128xf32, #tpu.memory_space<vmem_shared>> -> memref<10240x128xf32, #tpu.memory_space<vmem_shared>>
        tpu.enqueue_indirect_dma source(%arg10 : memref<128x128xf32, #tpu.memory_space<vmem>>) target(%dma_start3A_137 : memref<10240x128xf32, #tpu.memory_space<vmem_shared>>) offsets(%dma_start3A_134 : memref<128xi32, #tpu.memory_space<vmem>>) semaphore(%run_scoped3A_131 : memref<!tpu.dma_semaphore, #tpu.memory_space<semaphore_mem>>) {add = true}
        %dma_wait3A_138 = arith.constant 0 : i32
        %dma_wait3A_139 = tpu.memref_slice %arg8[%add3A_130, %dma_wait3A_138] : memref<40x128xi32, #tpu.memory_space<vmem>> -> memref<1x128xi32, #tpu.memory_space<vmem>>
        %dma_wait3A_140 = tpu.memref_squeeze %dma_wait3A_139 : memref<1x128xi32, #tpu.memory_space<vmem>> -> memref<128xi32, #tpu.memory_space<vmem>>
        %dma_wait3A_141 = arith.constant 0 : i32
        %dma_wait3A_142 = arith.constant 0 : i32
        %dma_wait3A_143 = tpu.memref_slice %arg11[%dma_wait3A_141, %dma_wait3A_142] : memref<10240x128xf32, #tpu.memory_space<vmem_shared>> -> memref<10240x128xf32, #tpu.memory_space<vmem_shared>>
        tpu.wait_indirect_dma semaphore(%run_scoped3A_131 : memref<!tpu.dma_semaphore, #tpu.memory_space<semaphore_mem>>) src(%arg10 : memref<128x128xf32, #tpu.memory_space<vmem>>) dst(%dma_wait3A_143 : memref<10240x128xf32, #tpu.memory_space<vmem_shared>>)
        tpu.yield
      }) : () -> ()
    }
    %scan3A_28 = arith.constant 19 : i32
    %dma_start3A_29 = arith.constant 39 : i32
    %dma_start3A_30 = arith.constant 0 : i32
    %dma_start3A_31 = tpu.memref_slice %arg7[%dma_start3A_29, %dma_start3A_30] : memref<40x128xi32, #tpu.memory_space<vmem>> -> memref<1x128xi32, #tpu.memory_space<vmem>>
    %dma_start3A_32 = tpu.memref_squeeze %dma_start3A_31 : memref<1x128xi32, #tpu.memory_space<vmem>> -> memref<128xi32, #tpu.memory_space<vmem>>
    %dma_start3A_33 = arith.constant 0 : i32
    %dma_start3A_34 = arith.constant 0 : i32
    %dma_start3A_35 = tpu.memref_slice %arg2[%dma_start3A_33, %dma_start3A_34] : memref<10240x128xf32, #tpu.memory_space<hbm>> -> memref<10240x128xf32, #tpu.memory_space<hbm>>
    tpu.enqueue_indirect_dma source(%dma_start3A_35 : memref<10240x128xf32, #tpu.memory_space<hbm>>) target(%arg10 : memref<128x128xf32, #tpu.memory_space<vmem>>) offsets(%dma_start3A_32 : memref<128xi32, #tpu.memory_space<vmem>>) semaphore(%arg13 : memref<!tpu.dma_semaphore, #tpu.memory_space<semaphore_mem>>)
    %dma_wait3A = arith.constant 38 : i32
    %dma_wait3A_36 = arith.constant 0 : i32
    %dma_wait3A_37 = tpu.memref_slice %arg7[%dma_wait3A, %dma_wait3A_36] : memref<40x128xi32, #tpu.memory_space<vmem>> -> memref<1x128xi32, #tpu.memory_space<vmem>>
    %dma_wait3A_38 = tpu.memref_squeeze %dma_wait3A_37 : memref<1x128xi32, #tpu.memory_space<vmem>> -> memref<128xi32, #tpu.memory_space<vmem>>
    %dma_wait3A_39 = arith.constant 0 : i32
    %dma_wait3A_40 = arith.constant 0 : i32
    %dma_wait3A_41 = tpu.memref_slice %arg2[%dma_wait3A_39, %dma_wait3A_40] : memref<10240x128xf32, #tpu.memory_space<hbm>> -> memref<10240x128xf32, #tpu.memory_space<hbm>>
    tpu.wait_indirect_dma semaphore(%arg12 : memref<!tpu.dma_semaphore, #tpu.memory_space<semaphore_mem>>) src(%dma_wait3A_41 : memref<10240x128xf32, #tpu.memory_space<hbm>>) dst(%arg9 : memref<128x128xf32, #tpu.memory_space<vmem>>)
    %run_scoped3A = arith.constant 38 : i32
    "tpu.region"() ({
      %run_scoped3A_96 = tpu.sem_alloc : memref<!tpu.dma_semaphore, #tpu.memory_space<semaphore_mem>>
      %dma_start3A_97 = arith.constant 0 : i32
      %dma_start3A_98 = tpu.memref_slice %arg8[%run_scoped3A, %dma_start3A_97] : memref<40x128xi32, #tpu.memory_space<vmem>> -> memref<1x128xi32, #tpu.memory_space<vmem>>
      %dma_start3A_99 = tpu.memref_squeeze %dma_start3A_98 : memref<1x128xi32, #tpu.memory_space<vmem>> -> memref<128xi32, #tpu.memory_space<vmem>>
      %dma_start3A_100 = arith.constant 0 : i32
      %dma_start3A_101 = arith.constant 0 : i32
      %dma_start3A_102 = tpu.memref_slice %arg11[%dma_start3A_100, %dma_start3A_101] : memref<10240x128xf32, #tpu.memory_space<vmem_shared>> -> memref<10240x128xf32, #tpu.memory_space<vmem_shared>>
      tpu.enqueue_indirect_dma source(%arg9 : memref<128x128xf32, #tpu.memory_space<vmem>>) target(%dma_start3A_102 : memref<10240x128xf32, #tpu.memory_space<vmem_shared>>) offsets(%dma_start3A_99 : memref<128xi32, #tpu.memory_space<vmem>>) semaphore(%run_scoped3A_96 : memref<!tpu.dma_semaphore, #tpu.memory_space<semaphore_mem>>) {add = true}
      %dma_wait3A_103 = arith.constant 0 : i32
      %dma_wait3A_104 = tpu.memref_slice %arg8[%run_scoped3A, %dma_wait3A_103] : memref<40x128xi32, #tpu.memory_space<vmem>> -> memref<1x128xi32, #tpu.memory_space<vmem>>
      %dma_wait3A_105 = tpu.memref_squeeze %dma_wait3A_104 : memref<1x128xi32, #tpu.memory_space<vmem>> -> memref<128xi32, #tpu.memory_space<vmem>>
      %dma_wait3A_106 = arith.constant 0 : i32
      %dma_wait3A_107 = arith.constant 0 : i32
      %dma_wait3A_108 = tpu.memref_slice %arg11[%dma_wait3A_106, %dma_wait3A_107] : memref<10240x128xf32, #tpu.memory_space<vmem_shared>> -> memref<10240x128xf32, #tpu.memory_space<vmem_shared>>
      tpu.wait_indirect_dma semaphore(%run_scoped3A_96 : memref<!tpu.dma_semaphore, #tpu.memory_space<semaphore_mem>>) src(%arg9 : memref<128x128xf32, #tpu.memory_space<vmem>>) dst(%dma_wait3A_108 : memref<10240x128xf32, #tpu.memory_space<vmem_shared>>)
      tpu.yield
    }) : () -> ()
    %dma_wait3A_42 = arith.constant 39 : i32
    %dma_wait3A_43 = arith.constant 0 : i32
    %dma_wait3A_44 = tpu.memref_slice %arg7[%dma_wait3A_42, %dma_wait3A_43] : memref<40x128xi32, #tpu.memory_space<vmem>> -> memref<1x128xi32, #tpu.memory_space<vmem>>
    %dma_wait3A_45 = tpu.memref_squeeze %dma_wait3A_44 : memref<1x128xi32, #tpu.memory_space<vmem>> -> memref<128xi32, #tpu.memory_space<vmem>>
    %dma_wait3A_46 = arith.constant 0 : i32
    %dma_wait3A_47 = arith.constant 0 : i32
    %dma_wait3A_48 = tpu.memref_slice %arg2[%dma_wait3A_46, %dma_wait3A_47] : memref<10240x128xf32, #tpu.memory_space<hbm>> -> memref<10240x128xf32, #tpu.memory_space<hbm>>
    tpu.wait_indirect_dma semaphore(%arg13 : memref<!tpu.dma_semaphore, #tpu.memory_space<semaphore_mem>>) src(%dma_wait3A_48 : memref<10240x128xf32, #tpu.memory_space<hbm>>) dst(%arg10 : memref<128x128xf32, #tpu.memory_space<vmem>>)
    %run_scoped3A_49 = arith.constant 39 : i32
    "tpu.region"() ({
      %run_scoped3A_96 = tpu.sem_alloc : memref<!tpu.dma_semaphore, #tpu.memory_space<semaphore_mem>>
      %dma_start3A_97 = arith.constant 0 : i32
      %dma_start3A_98 = tpu.memref_slice %arg8[%run_scoped3A_49, %dma_start3A_97] : memref<40x128xi32, #tpu.memory_space<vmem>> -> memref<1x128xi32, #tpu.memory_space<vmem>>
      %dma_start3A_99 = tpu.memref_squeeze %dma_start3A_98 : memref<1x128xi32, #tpu.memory_space<vmem>> -> memref<128xi32, #tpu.memory_space<vmem>>
      %dma_start3A_100 = arith.constant 0 : i32
      %dma_start3A_101 = arith.constant 0 : i32
      %dma_start3A_102 = tpu.memref_slice %arg11[%dma_start3A_100, %dma_start3A_101] : memref<10240x128xf32, #tpu.memory_space<vmem_shared>> -> memref<10240x128xf32, #tpu.memory_space<vmem_shared>>
      tpu.enqueue_indirect_dma source(%arg10 : memref<128x128xf32, #tpu.memory_space<vmem>>) target(%dma_start3A_102 : memref<10240x128xf32, #tpu.memory_space<vmem_shared>>) offsets(%dma_start3A_99 : memref<128xi32, #tpu.memory_space<vmem>>) semaphore(%run_scoped3A_96 : memref<!tpu.dma_semaphore, #tpu.memory_space<semaphore_mem>>) {add = true}
      %dma_wait3A_103 = arith.constant 0 : i32
      %dma_wait3A_104 = tpu.memref_slice %arg8[%run_scoped3A_49, %dma_wait3A_103] : memref<40x128xi32, #tpu.memory_space<vmem>> -> memref<1x128xi32, #tpu.memory_space<vmem>>
      %dma_wait3A_105 = tpu.memref_squeeze %dma_wait3A_104 : memref<1x128xi32, #tpu.memory_space<vmem>> -> memref<128xi32, #tpu.memory_space<vmem>>
      %dma_wait3A_106 = arith.constant 0 : i32
      %dma_wait3A_107 = arith.constant 0 : i32
      %dma_wait3A_108 = tpu.memref_slice %arg11[%dma_wait3A_106, %dma_wait3A_107] : memref<10240x128xf32, #tpu.memory_space<vmem_shared>> -> memref<10240x128xf32, #tpu.memory_space<vmem_shared>>
      tpu.wait_indirect_dma semaphore(%run_scoped3A_96 : memref<!tpu.dma_semaphore, #tpu.memory_space<semaphore_mem>>) src(%arg10 : memref<128x128xf32, #tpu.memory_space<vmem>>) dst(%dma_wait3A_108 : memref<10240x128xf32, #tpu.memory_space<vmem_shared>>)
      tpu.yield
    }) : () -> ()
    %mul3A_50 = arith.constant 80 : i32
    %mul3A_51 = arith.muli %add3A, %mul3A_50 : i32
    %add3A_52 = arith.constant 40 : i32
    %add3A_53 = arith.addi %mul3A_51, %add3A_52 : i32
    %multiple_of3A_54 = tpu.assume_multiple %add3A_53, 8 : i32
    "tpu.region"() ({
      %run_scoped3A_96 = tpu.sem_alloc : memref<!tpu.dma_semaphore, #tpu.memory_space<semaphore_mem>>
      %dma_start3A_97 = arith.constant 0 : i32
      %dma_start3A_98 = tpu.memref_slice %arg3[%multiple_of3A_54, %dma_start3A_97] : memref<2560x128xi32, #tpu.memory_space<hbm>> -> memref<40x128xi32, #tpu.memory_space<hbm>>
      %dma_start3A_99 = arith.constant 0 : i32
      %dma_start3A_100 = tpu.memref_slice %arg3[%multiple_of3A_54, %dma_start3A_99] : memref<2560x128xi32, #tpu.memory_space<hbm>> -> memref<40x128xi32, #tpu.memory_space<hbm>>
      tpu.enqueue_dma source(%dma_start3A_100 : memref<40x128xi32, #tpu.memory_space<hbm>>) target(%arg7 : memref<40x128xi32, #tpu.memory_space<vmem>>) target_semaphore(%run_scoped3A_96 : memref<!tpu.dma_semaphore, #tpu.memory_space<semaphore_mem>>)
      %dma_wait3A_101 = arith.constant 0 : i32
      %dma_wait3A_102 = tpu.memref_slice %arg3[%multiple_of3A_54, %dma_wait3A_101] : memref<2560x128xi32, #tpu.memory_space<hbm>> -> memref<40x128xi32, #tpu.memory_space<hbm>>
      %dma_wait3A_103 = arith.constant 0 : i32
      %dma_wait3A_104 = tpu.memref_slice %arg3[%multiple_of3A_54, %dma_wait3A_103] : memref<2560x128xi32, #tpu.memory_space<hbm>> -> memref<40x128xi32, #tpu.memory_space<hbm>>
      tpu.wait_dma2 semaphore(%run_scoped3A_96 : memref<!tpu.dma_semaphore, #tpu.memory_space<semaphore_mem>>) src(%dma_wait3A_104 : memref<40x128xi32, #tpu.memory_space<hbm>>) dst(%arg7 : memref<40x128xi32, #tpu.memory_space<vmem>>)
      tpu.yield
    }) : () -> ()
    "tpu.region"() ({
      %run_scoped3A_96 = tpu.sem_alloc : memref<!tpu.dma_semaphore, #tpu.memory_space<semaphore_mem>>
      %dma_start3A_97 = arith.constant 0 : i32
      %dma_start3A_98 = tpu.memref_slice %arg4[%multiple_of3A_54, %dma_start3A_97] : memref<2560x128xi32, #tpu.memory_space<hbm>> -> memref<40x128xi32, #tpu.memory_space<hbm>>
      %dma_start3A_99 = arith.constant 0 : i32
      %dma_start3A_100 = tpu.memref_slice %arg4[%multiple_of3A_54, %dma_start3A_99] : memref<2560x128xi32, #tpu.memory_space<hbm>> -> memref<40x128xi32, #tpu.memory_space<hbm>>
      tpu.enqueue_dma source(%dma_start3A_100 : memref<40x128xi32, #tpu.memory_space<hbm>>) target(%arg8 : memref<40x128xi32, #tpu.memory_space<vmem>>) target_semaphore(%run_scoped3A_96 : memref<!tpu.dma_semaphore, #tpu.memory_space<semaphore_mem>>)
      %dma_wait3A_101 = arith.constant 0 : i32
      %dma_wait3A_102 = tpu.memref_slice %arg4[%multiple_of3A_54, %dma_wait3A_101] : memref<2560x128xi32, #tpu.memory_space<hbm>> -> memref<40x128xi32, #tpu.memory_space<hbm>>
      %dma_wait3A_103 = arith.constant 0 : i32
      %dma_wait3A_104 = tpu.memref_slice %arg4[%multiple_of3A_54, %dma_wait3A_103] : memref<2560x128xi32, #tpu.memory_space<hbm>> -> memref<40x128xi32, #tpu.memory_space<hbm>>
      tpu.wait_dma2 semaphore(%run_scoped3A_96 : memref<!tpu.dma_semaphore, #tpu.memory_space<semaphore_mem>>) src(%dma_wait3A_104 : memref<40x128xi32, #tpu.memory_space<hbm>>) dst(%arg8 : memref<40x128xi32, #tpu.memory_space<vmem>>)
      tpu.yield
    }) : () -> ()
    %dma_start3A_55 = arith.constant 0 : i32
    %dma_start3A_56 = arith.constant 0 : i32
    %dma_start3A_57 = tpu.memref_slice %arg7[%dma_start3A_55, %dma_start3A_56] : memref<40x128xi32, #tpu.memory_space<vmem>> -> memref<1x128xi32, #tpu.memory_space<vmem>>
    %dma_start3A_58 = tpu.memref_squeeze %dma_start3A_57 : memref<1x128xi32, #tpu.memory_space<vmem>> -> memref<128xi32, #tpu.memory_space<vmem>>
    %dma_start3A_59 = arith.constant 0 : i32
    %dma_start3A_60 = arith.constant 0 : i32
    %dma_start3A_61 = tpu.memref_slice %arg2[%dma_start3A_59, %dma_start3A_60] : memref<10240x128xf32, #tpu.memory_space<hbm>> -> memref<10240x128xf32, #tpu.memory_space<hbm>>
    tpu.enqueue_indirect_dma source(%dma_start3A_61 : memref<10240x128xf32, #tpu.memory_space<hbm>>) target(%arg9 : memref<128x128xf32, #tpu.memory_space<vmem>>) offsets(%dma_start3A_58 : memref<128xi32, #tpu.memory_space<vmem>>) semaphore(%arg12 : memref<!tpu.dma_semaphore, #tpu.memory_space<semaphore_mem>>)
    %scan3A_62 = arith.constant 0 : i32
    %scan3A_63 = arith.constant 0 : i32
    %scan3A_64 = arith.constant 19 : i32
    %scan3A_65 = arith.addi %scan3A_63, %scan3A_64 : i32
    %scan3A_66 = arith.constant 1 : i32
    scf.for %scan3A_96 = %scan3A_63 to %scan3A_65 step %scan3A_66  : i32 {
      %mul3A_97 = arith.constant 2 : i32
      %mul3A_98 = arith.muli %mul3A_97, %scan3A_96 : i32
      %add3A_99 = arith.constant 1 : i32
      %add3A_100 = arith.addi %mul3A_98, %add3A_99 : i32
      %dma_start3A_101 = arith.constant 0 : i32
      %dma_start3A_102 = tpu.memref_slice %arg7[%add3A_100, %dma_start3A_101] : memref<40x128xi32, #tpu.memory_space<vmem>> -> memref<1x128xi32, #tpu.memory_space<vmem>>
      %dma_start3A_103 = tpu.memref_squeeze %dma_start3A_102 : memref<1x128xi32, #tpu.memory_space<vmem>> -> memref<128xi32, #tpu.memory_space<vmem>>
      %dma_start3A_104 = arith.constant 0 : i32
      %dma_start3A_105 = arith.constant 0 : i32
      %dma_start3A_106 = tpu.memref_slice %arg2[%dma_start3A_104, %dma_start3A_105] : memref<10240x128xf32, #tpu.memory_space<hbm>> -> memref<10240x128xf32, #tpu.memory_space<hbm>>
      tpu.enqueue_indirect_dma source(%dma_start3A_106 : memref<10240x128xf32, #tpu.memory_space<hbm>>) target(%arg10 : memref<128x128xf32, #tpu.memory_space<vmem>>) offsets(%dma_start3A_103 : memref<128xi32, #tpu.memory_space<vmem>>) semaphore(%arg13 : memref<!tpu.dma_semaphore, #tpu.memory_space<semaphore_mem>>)
      %dma_wait3A_107 = arith.constant 0 : i32
      %dma_wait3A_108 = tpu.memref_slice %arg7[%mul3A_98, %dma_wait3A_107] : memref<40x128xi32, #tpu.memory_space<vmem>> -> memref<1x128xi32, #tpu.memory_space<vmem>>
      %dma_wait3A_109 = tpu.memref_squeeze %dma_wait3A_108 : memref<1x128xi32, #tpu.memory_space<vmem>> -> memref<128xi32, #tpu.memory_space<vmem>>
      %dma_wait3A_110 = arith.constant 0 : i32
      %dma_wait3A_111 = arith.constant 0 : i32
      %dma_wait3A_112 = tpu.memref_slice %arg2[%dma_wait3A_110, %dma_wait3A_111] : memref<10240x128xf32, #tpu.memory_space<hbm>> -> memref<10240x128xf32, #tpu.memory_space<hbm>>
      tpu.wait_indirect_dma semaphore(%arg12 : memref<!tpu.dma_semaphore, #tpu.memory_space<semaphore_mem>>) src(%dma_wait3A_112 : memref<10240x128xf32, #tpu.memory_space<hbm>>) dst(%arg9 : memref<128x128xf32, #tpu.memory_space<vmem>>)
      "tpu.region"() ({
        %run_scoped3A_131 = tpu.sem_alloc : memref<!tpu.dma_semaphore, #tpu.memory_space<semaphore_mem>>
        %dma_start3A_132 = arith.constant 0 : i32
        %dma_start3A_133 = tpu.memref_slice %arg8[%mul3A_98, %dma_start3A_132] : memref<40x128xi32, #tpu.memory_space<vmem>> -> memref<1x128xi32, #tpu.memory_space<vmem>>
        %dma_start3A_134 = tpu.memref_squeeze %dma_start3A_133 : memref<1x128xi32, #tpu.memory_space<vmem>> -> memref<128xi32, #tpu.memory_space<vmem>>
        %dma_start3A_135 = arith.constant 0 : i32
        %dma_start3A_136 = arith.constant 0 : i32
        %dma_start3A_137 = tpu.memref_slice %arg11[%dma_start3A_135, %dma_start3A_136] : memref<10240x128xf32, #tpu.memory_space<vmem_shared>> -> memref<10240x128xf32, #tpu.memory_space<vmem_shared>>
        tpu.enqueue_indirect_dma source(%arg9 : memref<128x128xf32, #tpu.memory_space<vmem>>) target(%dma_start3A_137 : memref<10240x128xf32, #tpu.memory_space<vmem_shared>>) offsets(%dma_start3A_134 : memref<128xi32, #tpu.memory_space<vmem>>) semaphore(%run_scoped3A_131 : memref<!tpu.dma_semaphore, #tpu.memory_space<semaphore_mem>>) {add = true}
        %dma_wait3A_138 = arith.constant 0 : i32
        %dma_wait3A_139 = tpu.memref_slice %arg8[%mul3A_98, %dma_wait3A_138] : memref<40x128xi32, #tpu.memory_space<vmem>> -> memref<1x128xi32, #tpu.memory_space<vmem>>
        %dma_wait3A_140 = tpu.memref_squeeze %dma_wait3A_139 : memref<1x128xi32, #tpu.memory_space<vmem>> -> memref<128xi32, #tpu.memory_space<vmem>>
        %dma_wait3A_141 = arith.constant 0 : i32
        %dma_wait3A_142 = arith.constant 0 : i32
        %dma_wait3A_143 = tpu.memref_slice %arg11[%dma_wait3A_141, %dma_wait3A_142] : memref<10240x128xf32, #tpu.memory_space<vmem_shared>> -> memref<10240x128xf32, #tpu.memory_space<vmem_shared>>
        tpu.wait_indirect_dma semaphore(%run_scoped3A_131 : memref<!tpu.dma_semaphore, #tpu.memory_space<semaphore_mem>>) src(%arg9 : memref<128x128xf32, #tpu.memory_space<vmem>>) dst(%dma_wait3A_143 : memref<10240x128xf32, #tpu.memory_space<vmem_shared>>)
        tpu.yield
      }) : () -> ()
      %add3A_113 = arith.constant 2 : i32
      %add3A_114 = arith.addi %mul3A_98, %add3A_113 : i32
      %dma_start3A_115 = arith.constant 0 : i32
      %dma_start3A_116 = tpu.memref_slice %arg7[%add3A_114, %dma_start3A_115] : memref<40x128xi32, #tpu.memory_space<vmem>> -> memref<1x128xi32, #tpu.memory_space<vmem>>
      %dma_start3A_117 = tpu.memref_squeeze %dma_start3A_116 : memref<1x128xi32, #tpu.memory_space<vmem>> -> memref<128xi32, #tpu.memory_space<vmem>>
      %dma_start3A_118 = arith.constant 0 : i32
      %dma_start3A_119 = arith.constant 0 : i32
      %dma_start3A_120 = tpu.memref_slice %arg2[%dma_start3A_118, %dma_start3A_119] : memref<10240x128xf32, #tpu.memory_space<hbm>> -> memref<10240x128xf32, #tpu.memory_space<hbm>>
      tpu.enqueue_indirect_dma source(%dma_start3A_120 : memref<10240x128xf32, #tpu.memory_space<hbm>>) target(%arg9 : memref<128x128xf32, #tpu.memory_space<vmem>>) offsets(%dma_start3A_117 : memref<128xi32, #tpu.memory_space<vmem>>) semaphore(%arg12 : memref<!tpu.dma_semaphore, #tpu.memory_space<semaphore_mem>>)
      %add3A_121 = arith.constant 1 : i32
      %add3A_122 = arith.addi %mul3A_98, %add3A_121 : i32
      %dma_wait3A_123 = arith.constant 0 : i32
      %dma_wait3A_124 = tpu.memref_slice %arg7[%add3A_122, %dma_wait3A_123] : memref<40x128xi32, #tpu.memory_space<vmem>> -> memref<1x128xi32, #tpu.memory_space<vmem>>
      %dma_wait3A_125 = tpu.memref_squeeze %dma_wait3A_124 : memref<1x128xi32, #tpu.memory_space<vmem>> -> memref<128xi32, #tpu.memory_space<vmem>>
      %dma_wait3A_126 = arith.constant 0 : i32
      %dma_wait3A_127 = arith.constant 0 : i32
      %dma_wait3A_128 = tpu.memref_slice %arg2[%dma_wait3A_126, %dma_wait3A_127] : memref<10240x128xf32, #tpu.memory_space<hbm>> -> memref<10240x128xf32, #tpu.memory_space<hbm>>
      tpu.wait_indirect_dma semaphore(%arg13 : memref<!tpu.dma_semaphore, #tpu.memory_space<semaphore_mem>>) src(%dma_wait3A_128 : memref<10240x128xf32, #tpu.memory_space<hbm>>) dst(%arg10 : memref<128x128xf32, #tpu.memory_space<vmem>>)
      %add3A_129 = arith.constant 1 : i32
      %add3A_130 = arith.addi %mul3A_98, %add3A_129 : i32
      "tpu.region"() ({
        %run_scoped3A_131 = tpu.sem_alloc : memref<!tpu.dma_semaphore, #tpu.memory_space<semaphore_mem>>
        %dma_start3A_132 = arith.constant 0 : i32
        %dma_start3A_133 = tpu.memref_slice %arg8[%add3A_130, %dma_start3A_132] : memref<40x128xi32, #tpu.memory_space<vmem>> -> memref<1x128xi32, #tpu.memory_space<vmem>>
        %dma_start3A_134 = tpu.memref_squeeze %dma_start3A_133 : memref<1x128xi32, #tpu.memory_space<vmem>> -> memref<128xi32, #tpu.memory_space<vmem>>
        %dma_start3A_135 = arith.constant 0 : i32
        %dma_start3A_136 = arith.constant 0 : i32
        %dma_start3A_137 = tpu.memref_slice %arg11[%dma_start3A_135, %dma_start3A_136] : memref<10240x128xf32, #tpu.memory_space<vmem_shared>> -> memref<10240x128xf32, #tpu.memory_space<vmem_shared>>
        tpu.enqueue_indirect_dma source(%arg10 : memref<128x128xf32, #tpu.memory_space<vmem>>) target(%dma_start3A_137 : memref<10240x128xf32, #tpu.memory_space<vmem_shared>>) offsets(%dma_start3A_134 : memref<128xi32, #tpu.memory_space<vmem>>) semaphore(%run_scoped3A_131 : memref<!tpu.dma_semaphore, #tpu.memory_space<semaphore_mem>>) {add = true}
        %dma_wait3A_138 = arith.constant 0 : i32
        %dma_wait3A_139 = tpu.memref_slice %arg8[%add3A_130, %dma_wait3A_138] : memref<40x128xi32, #tpu.memory_space<vmem>> -> memref<1x128xi32, #tpu.memory_space<vmem>>
        %dma_wait3A_140 = tpu.memref_squeeze %dma_wait3A_139 : memref<1x128xi32, #tpu.memory_space<vmem>> -> memref<128xi32, #tpu.memory_space<vmem>>
        %dma_wait3A_141 = arith.constant 0 : i32
        %dma_wait3A_142 = arith.constant 0 : i32
        %dma_wait3A_143 = tpu.memref_slice %arg11[%dma_wait3A_141, %dma_wait3A_142] : memref<10240x128xf32, #tpu.memory_space<vmem_shared>> -> memref<10240x128xf32, #tpu.memory_space<vmem_shared>>
        tpu.wait_indirect_dma semaphore(%run_scoped3A_131 : memref<!tpu.dma_semaphore, #tpu.memory_space<semaphore_mem>>) src(%arg10 : memref<128x128xf32, #tpu.memory_space<vmem>>) dst(%dma_wait3A_143 : memref<10240x128xf32, #tpu.memory_space<vmem_shared>>)
        tpu.yield
      }) : () -> ()
    }
    %scan3A_67 = arith.constant 19 : i32
    %dma_start3A_68 = arith.constant 39 : i32
    %dma_start3A_69 = arith.constant 0 : i32
    %dma_start3A_70 = tpu.memref_slice %arg7[%dma_start3A_68, %dma_start3A_69] : memref<40x128xi32, #tpu.memory_space<vmem>> -> memref<1x128xi32, #tpu.memory_space<vmem>>
    %dma_start3A_71 = tpu.memref_squeeze %dma_start3A_70 : memref<1x128xi32, #tpu.memory_space<vmem>> -> memref<128xi32, #tpu.memory_space<vmem>>
    %dma_start3A_72 = arith.constant 0 : i32
    %dma_start3A_73 = arith.constant 0 : i32
    %dma_start3A_74 = tpu.memref_slice %arg2[%dma_start3A_72, %dma_start3A_73] : memref<10240x128xf32, #tpu.memory_space<hbm>> -> memref<10240x128xf32, #tpu.memory_space<hbm>>
    tpu.enqueue_indirect_dma source(%dma_start3A_74 : memref<10240x128xf32, #tpu.memory_space<hbm>>) target(%arg10 : memref<128x128xf32, #tpu.memory_space<vmem>>) offsets(%dma_start3A_71 : memref<128xi32, #tpu.memory_space<vmem>>) semaphore(%arg13 : memref<!tpu.dma_semaphore, #tpu.memory_space<semaphore_mem>>)
    %dma_wait3A_75 = arith.constant 38 : i32
    %dma_wait3A_76 = arith.constant 0 : i32
    %dma_wait3A_77 = tpu.memref_slice %arg7[%dma_wait3A_75, %dma_wait3A_76] : memref<40x128xi32, #tpu.memory_space<vmem>> -> memref<1x128xi32, #tpu.memory_space<vmem>>
    %dma_wait3A_78 = tpu.memref_squeeze %dma_wait3A_77 : memref<1x128xi32, #tpu.memory_space<vmem>> -> memref<128xi32, #tpu.memory_space<vmem>>
    %dma_wait3A_79 = arith.constant 0 : i32
    %dma_wait3A_80 = arith.constant 0 : i32
    %dma_wait3A_81 = tpu.memref_slice %arg2[%dma_wait3A_79, %dma_wait3A_80] : memref<10240x128xf32, #tpu.memory_space<hbm>> -> memref<10240x128xf32, #tpu.memory_space<hbm>>
    tpu.wait_indirect_dma semaphore(%arg12 : memref<!tpu.dma_semaphore, #tpu.memory_space<semaphore_mem>>) src(%dma_wait3A_81 : memref<10240x128xf32, #tpu.memory_space<hbm>>) dst(%arg9 : memref<128x128xf32, #tpu.memory_space<vmem>>)
    %run_scoped3A_82 = arith.constant 38 : i32
    "tpu.region"() ({
      %run_scoped3A_96 = tpu.sem_alloc : memref<!tpu.dma_semaphore, #tpu.memory_space<semaphore_mem>>
      %dma_start3A_97 = arith.constant 0 : i32
      %dma_start3A_98 = tpu.memref_slice %arg8[%run_scoped3A_82, %dma_start3A_97] : memref<40x128xi32, #tpu.memory_space<vmem>> -> memref<1x128xi32, #tpu.memory_space<vmem>>
      %dma_start3A_99 = tpu.memref_squeeze %dma_start3A_98 : memref<1x128xi32, #tpu.memory_space<vmem>> -> memref<128xi32, #tpu.memory_space<vmem>>
      %dma_start3A_100 = arith.constant 0 : i32
      %dma_start3A_101 = arith.constant 0 : i32
      %dma_start3A_102 = tpu.memref_slice %arg11[%dma_start3A_100, %dma_start3A_101] : memref<10240x128xf32, #tpu.memory_space<vmem_shared>> -> memref<10240x128xf32, #tpu.memory_space<vmem_shared>>
      tpu.enqueue_indirect_dma source(%arg9 : memref<128x128xf32, #tpu.memory_space<vmem>>) target(%dma_start3A_102 : memref<10240x128xf32, #tpu.memory_space<vmem_shared>>) offsets(%dma_start3A_99 : memref<128xi32, #tpu.memory_space<vmem>>) semaphore(%run_scoped3A_96 : memref<!tpu.dma_semaphore, #tpu.memory_space<semaphore_mem>>) {add = true}
      %dma_wait3A_103 = arith.constant 0 : i32
      %dma_wait3A_104 = tpu.memref_slice %arg8[%run_scoped3A_82, %dma_wait3A_103] : memref<40x128xi32, #tpu.memory_space<vmem>> -> memref<1x128xi32, #tpu.memory_space<vmem>>
      %dma_wait3A_105 = tpu.memref_squeeze %dma_wait3A_104 : memref<1x128xi32, #tpu.memory_space<vmem>> -> memref<128xi32, #tpu.memory_space<vmem>>
      %dma_wait3A_106 = arith.constant 0 : i32
      %dma_wait3A_107 = arith.constant 0 : i32
      %dma_wait3A_108 = tpu.memref_slice %arg11[%dma_wait3A_106, %dma_wait3A_107] : memref<10240x128xf32, #tpu.memory_space<vmem_shared>> -> memref<10240x128xf32, #tpu.memory_space<vmem_shared>>
      tpu.wait_indirect_dma semaphore(%run_scoped3A_96 : memref<!tpu.dma_semaphore, #tpu.memory_space<semaphore_mem>>) src(%arg9 : memref<128x128xf32, #tpu.memory_space<vmem>>) dst(%dma_wait3A_108 : memref<10240x128xf32, #tpu.memory_space<vmem_shared>>)
      tpu.yield
    }) : () -> ()
    %dma_wait3A_83 = arith.constant 39 : i32
    %dma_wait3A_84 = arith.constant 0 : i32
    %dma_wait3A_85 = tpu.memref_slice %arg7[%dma_wait3A_83, %dma_wait3A_84] : memref<40x128xi32, #tpu.memory_space<vmem>> -> memref<1x128xi32, #tpu.memory_space<vmem>>
    %dma_wait3A_86 = tpu.memref_squeeze %dma_wait3A_85 : memref<1x128xi32, #tpu.memory_space<vmem>> -> memref<128xi32, #tpu.memory_space<vmem>>
    %dma_wait3A_87 = arith.constant 0 : i32
    %dma_wait3A_88 = arith.constant 0 : i32
    %dma_wait3A_89 = tpu.memref_slice %arg2[%dma_wait3A_87, %dma_wait3A_88] : memref<10240x128xf32, #tpu.memory_space<hbm>> -> memref<10240x128xf32, #tpu.memory_space<hbm>>
    tpu.wait_indirect_dma semaphore(%arg13 : memref<!tpu.dma_semaphore, #tpu.memory_space<semaphore_mem>>) src(%dma_wait3A_89 : memref<10240x128xf32, #tpu.memory_space<hbm>>) dst(%arg10 : memref<128x128xf32, #tpu.memory_space<vmem>>)
    %run_scoped3A_90 = arith.constant 39 : i32
    "tpu.region"() ({
      %run_scoped3A_96 = tpu.sem_alloc : memref<!tpu.dma_semaphore, #tpu.memory_space<semaphore_mem>>
      %dma_start3A_97 = arith.constant 0 : i32
      %dma_start3A_98 = tpu.memref_slice %arg8[%run_scoped3A_90, %dma_start3A_97] : memref<40x128xi32, #tpu.memory_space<vmem>> -> memref<1x128xi32, #tpu.memory_space<vmem>>
      %dma_start3A_99 = tpu.memref_squeeze %dma_start3A_98 : memref<1x128xi32, #tpu.memory_space<vmem>> -> memref<128xi32, #tpu.memory_space<vmem>>
      %dma_start3A_100 = arith.constant 0 : i32
      %dma_start3A_101 = arith.constant 0 : i32
      %dma_start3A_102 = tpu.memref_slice %arg11[%dma_start3A_100, %dma_start3A_101] : memref<10240x128xf32, #tpu.memory_space<vmem_shared>> -> memref<10240x128xf32, #tpu.memory_space<vmem_shared>>
      tpu.enqueue_indirect_dma source(%arg10 : memref<128x128xf32, #tpu.memory_space<vmem>>) target(%dma_start3A_102 : memref<10240x128xf32, #tpu.memory_space<vmem_shared>>) offsets(%dma_start3A_99 : memref<128xi32, #tpu.memory_space<vmem>>) semaphore(%run_scoped3A_96 : memref<!tpu.dma_semaphore, #tpu.memory_space<semaphore_mem>>) {add = true}
      %dma_wait3A_103 = arith.constant 0 : i32
      %dma_wait3A_104 = tpu.memref_slice %arg8[%run_scoped3A_90, %dma_wait3A_103] : memref<40x128xi32, #tpu.memory_space<vmem>> -> memref<1x128xi32, #tpu.memory_space<vmem>>
      %dma_wait3A_105 = tpu.memref_squeeze %dma_wait3A_104 : memref<1x128xi32, #tpu.memory_space<vmem>> -> memref<128xi32, #tpu.memory_space<vmem>>
      %dma_wait3A_106 = arith.constant 0 : i32
      %dma_wait3A_107 = arith.constant 0 : i32
      %dma_wait3A_108 = tpu.memref_slice %arg11[%dma_wait3A_106, %dma_wait3A_107] : memref<10240x128xf32, #tpu.memory_space<vmem_shared>> -> memref<10240x128xf32, #tpu.memory_space<vmem_shared>>
      tpu.wait_indirect_dma semaphore(%run_scoped3A_96 : memref<!tpu.dma_semaphore, #tpu.memory_space<semaphore_mem>>) src(%arg10 : memref<128x128xf32, #tpu.memory_space<vmem>>) dst(%dma_wait3A_108 : memref<10240x128xf32, #tpu.memory_space<vmem_shared>>)
      tpu.yield
    }) : () -> ()
    %barrier3A_91 = arith.constant 0 : index
    tpu.barrier barrier_id(%barrier3A_91)
    %mul3A_92 = arith.constant 640 : i32
    %mul3A_93 = arith.muli %arg1, %mul3A_92 : i32
    %mul3A_94 = arith.constant 640 : i32
    %mul3A_95 = arith.muli %arg1, %mul3A_94 : i32
    "tpu.region"() ({
      %run_scoped3A_96 = tpu.sem_alloc : memref<!tpu.dma_semaphore, #tpu.memory_space<semaphore_mem>>
      %dma_start3A_97 = arith.constant 0 : i32
      %dma_start3A_98 = tpu.memref_slice %arg6[%arg0, %mul3A_95, %dma_start3A_97] : memref<2x10240x128xf32, #tpu.memory_space<hbm>> -> memref<1x640x128xf32, #tpu.memory_space<hbm>>
      %dma_start3A_99 = tpu.memref_squeeze %dma_start3A_98 : memref<1x640x128xf32, #tpu.memory_space<hbm>> -> memref<640x128xf32, #tpu.memory_space<hbm>>
      %dma_start3A_100 = arith.constant 0 : i32
      %dma_start3A_101 = tpu.memref_slice %arg11[%mul3A_93, %dma_start3A_100] : memref<10240x128xf32, #tpu.memory_space<vmem_shared>> -> memref<640x128xf32, #tpu.memory_space<vmem_shared>>
      tpu.enqueue_dma source(%dma_start3A_101 : memref<640x128xf32, #tpu.memory_space<vmem_shared>>) target(%dma_start3A_99 : memref<640x128xf32, #tpu.memory_space<hbm>>) target_semaphore(%run_scoped3A_96 : memref<!tpu.dma_semaphore, #tpu.memory_space<semaphore_mem>>)
      %dma_wait3A_102 = arith.constant 0 : i32
      %dma_wait3A_103 = tpu.memref_slice %arg6[%arg0, %mul3A_95, %dma_wait3A_102] : memref<2x10240x128xf32, #tpu.memory_space<hbm>> -> memref<1x640x128xf32, #tpu.memory_space<hbm>>
      %dma_wait3A_104 = tpu.memref_squeeze %dma_wait3A_103 : memref<1x640x128xf32, #tpu.memory_space<hbm>> -> memref<640x128xf32, #tpu.memory_space<hbm>>
      %dma_wait3A_105 = arith.constant 0 : i32
      %dma_wait3A_106 = tpu.memref_slice %arg11[%mul3A_93, %dma_wait3A_105] : memref<10240x128xf32, #tpu.memory_space<vmem_shared>> -> memref<640x128xf32, #tpu.memory_space<vmem_shared>>
      tpu.wait_dma2 semaphore(%run_scoped3A_96 : memref<!tpu.dma_semaphore, #tpu.memory_space<semaphore_mem>>) src(%dma_wait3A_106 : memref<640x128xf32, #tpu.memory_space<vmem_shared>>) dst(%dma_wait3A_104 : memref<640x128xf32, #tpu.memory_space<hbm>>)
      tpu.yield
    }) : () -> ()
    return
  }
}

module attributes {stable_mosaic.version = 14 : i64} {
  func.func @_mm_body(%arg0: i32, %arg1: memref<1280x128xf32, #tpu.memory_space<vmem>>, %arg2: memref<128x128xf32, #tpu.memory_space<vmem>>, %arg3: memref<1280x128xf32, #tpu.memory_space<vmem>>) attributes {dimension_semantics = [#tpu.dimension_semantics<arbitrary>], iteration_bounds = array<i64: 8>, scalar_prefetch = 0 : i64, scratch_operands = 0 : i64, tpu.core_type = #tpu.core_type<tc>, window_params = [{transform_indices = @transform_0, window_bounds = array<i64: 1280, 128>}, {pipeline_mode = #tpu.pipeline_mode<synchronous>, transform_indices = @transform_1, window_bounds = array<i64: 128, 128>}, {transform_indices = @transform_2, window_bounds = array<i64: 1280, 128>}]} {
    %get3A = arith.constant 0 : index
    %get3A_0 = arith.constant 0 : index
    %get3A_1 = vector.load %arg1[%get3A, %get3A_0] : memref<1280x128xf32, #tpu.memory_space<vmem>>, vector<1280x128xf32>
    %get3A_2 = arith.constant 0 : index
    %get3A_3 = arith.constant 0 : index
    %get3A_4 = vector.load %arg2[%get3A_2, %get3A_3] : memref<128x128xf32, #tpu.memory_space<vmem>>, vector<128x128xf32>
    %dot_general3A = arith.constant dense<0.000000e+00> : vector<1280x128xf32>
    %dot_general3A_5 = tpu.matmul %get3A_1, %get3A_4, %dot_general3A {dimension_numbers = #tpu.dot_dimension_numbers<[1], [1], [0], [0], [0, 0, 1, 0], [], []>, precision = #tpu.contract_precision<fp32>, transpose_lhs_hint = false} : vector<1280x128xf32>, vector<128x128xf32>, vector<1280x128xf32> -> vector<1280x128xf32>
    %swap3A = arith.constant 0 : index
    %swap3A_6 = arith.constant 0 : index
    %swap3A_7 = vector.load %arg3[%swap3A, %swap3A_6] : memref<1280x128xf32, #tpu.memory_space<vmem>>, vector<1280x128xf32>
    tpu.vector_store %arg3[%swap3A, %swap3A_6], %dot_general3A_5 {strides = array<i32>} : memref<1280x128xf32, #tpu.memory_space<vmem>>, vector<1280x128xf32>,
    return
  }
  func.func @transform_0(%arg0: i32) -> (i32, i32) {
    %c0_i32 = arith.constant 0 : i32
    %c0_i32_0 = arith.constant 0 : i32
    return %arg0, %c0_i32 : i32, i32
  }
  func.func @transform_1(%arg0: i32) -> (i32, i32) {
    %c0_i32 = arith.constant 0 : i32
    %c0_i32_0 = arith.constant 0 : i32
    %c0_i32_1 = arith.constant 0 : i32
    return %c0_i32, %c0_i32_0 : i32, i32
  }
  func.func @transform_2(%arg0: i32) -> (i32, i32) {
    %c0_i32 = arith.constant 0 : i32
    %c0_i32_0 = arith.constant 0 : i32
    return %arg0, %c0_i32 : i32, i32
  }
}

module attributes {stable_mosaic.version = 14 : i64} {
  func.func @_scale_body(%arg0: i32, %arg1: memref<1280x128xf32, #tpu.memory_space<vmem>>, %arg2: memref<2x1280xf32, #tpu.memory_space<vmem>>, %arg3: memref<1280x128xf32, #tpu.memory_space<vmem>>) attributes {dimension_semantics = [#tpu.dimension_semantics<arbitrary>], iteration_bounds = array<i64: 8>, scalar_prefetch = 0 : i64, scratch_operands = 0 : i64, tpu.core_type = #tpu.core_type<tc>, window_params = [{transform_indices = @transform_0, window_bounds = array<i64: 1280, 128>}, {transform_indices = @transform_1, window_bounds = array<i64: 2, 1280>}, {transform_indices = @transform_2, window_bounds = array<i64: 1280, 128>}]} {
    %get3A = arith.constant 0 : index
    %get3A_0 = arith.constant 0 : index
    %get3A_1 = vector.load %arg2[%get3A, %get3A_0] : memref<2x1280xf32, #tpu.memory_space<vmem>>, vector<1x1280xf32>
    %get3A_2 = vector.shape_cast %get3A_1 : vector<1x1280xf32> to vector<1280xf32>
    %get3A_3 = arith.constant 1 : index
    %get3A_4 = arith.constant 0 : index
    %get3A_5 = vector.load %arg2[%get3A_3, %get3A_4] : memref<2x1280xf32, #tpu.memory_space<vmem>>, vector<1x1280xf32>
    %get3A_6 = vector.shape_cast %get3A_5 : vector<1x1280xf32> to vector<1280xf32>
    %add3A = arith.addf %get3A_2, %get3A_6 : vector<1280xf32>
    %add3A_7 = arith.constant 1.000000e+00 : f32
    %add3A_8 = vector.broadcast %add3A_7 : f32 to vector<1280xf32>
    %add3A_9 = arith.addf %add3A, %add3A_8 : vector<1280xf32>
    %rsqrt3A = math.rsqrt %add3A_9 : vector<1280xf32>
    %get3A_10 = arith.constant 0 : index
    %get3A_11 = arith.constant 0 : index
    %get3A_12 = vector.load %arg1[%get3A_10, %get3A_11] : memref<1280x128xf32, #tpu.memory_space<vmem>>, vector<1280x128xf32>
    %broadcast_in_dim3A = vector.shape_cast %rsqrt3A : vector<1280xf32> to vector<1280x1xf32>
    %mul3A = vector.broadcast %broadcast_in_dim3A : vector<1280x1xf32> to vector<1280x128xf32>
    %mul3A_13 = arith.mulf %get3A_12, %mul3A : vector<1280x128xf32>
    %swap3A = arith.constant 0 : index
    %swap3A_14 = arith.constant 0 : index
    %swap3A_15 = vector.load %arg3[%swap3A, %swap3A_14] : memref<1280x128xf32, #tpu.memory_space<vmem>>, vector<1280x128xf32>
    tpu.vector_store %arg3[%swap3A, %swap3A_14], %mul3A_13 {strides = array<i32>} : memref<1280x128xf32, #tpu.memory_space<vmem>>, vector<1280x128xf32>,
    return
  }
  func.func @transform_0(%arg0: i32) -> (i32, i32) {
    %c0_i32 = arith.constant 0 : i32
    %c0_i32_0 = arith.constant 0 : i32
    return %arg0, %c0_i32 : i32, i32
  }
  func.func @transform_1(%arg0: i32) -> (i32, i32) {
    %c0_i32 = arith.constant 0 : i32
    %c0_i32_0 = arith.constant 0 : i32
    return %c0_i32, %arg0 : i32, i32
  }
  func.func @transform_2(%arg0: i32) -> (i32, i32) {
    %c0_i32 = arith.constant 0 : i32
    %c0_i32_0 = arith.constant 0 : i32
    return %arg0, %c0_i32 : i32, i32
  }
}

module attributes {stable_mosaic.version = 14 : i64} {
  func.func @_out_body(%arg0: i32, %arg1: memref<2x1280x128xf32, #tpu.memory_space<vmem>>, %arg2: memref<1280x128xf32, #tpu.memory_space<vmem>>, %arg3: memref<2x1280xf32, #tpu.memory_space<vmem>>, %arg4: memref<1x128xf32, #tpu.memory_space<vmem>>, %arg5: memref<1280x128xf32, #tpu.memory_space<vmem>>) attributes {dimension_semantics = [#tpu.dimension_semantics<arbitrary>], iteration_bounds = array<i64: 8>, scalar_prefetch = 0 : i64, scratch_operands = 0 : i64, tpu.core_type = #tpu.core_type<tc>, window_params = [{transform_indices = @transform_0, window_bounds = array<i64: 2, 1280, 128>}, {transform_indices = @transform_1, window_bounds = array<i64: 1280, 128>}, {transform_indices = @transform_2, window_bounds = array<i64: 2, 1280>}, {pipeline_mode = #tpu.pipeline_mode<synchronous>, transform_indices = @transform_3, window_bounds = array<i64: 1, 128>}, {transform_indices = @transform_4, window_bounds = array<i64: 1280, 128>}]} {
    %get3A = arith.constant 0 : index
    %get3A_0 = arith.constant 0 : index
    %get3A_1 = vector.load %arg3[%get3A, %get3A_0] : memref<2x1280xf32, #tpu.memory_space<vmem>>, vector<1x1280xf32>
    %get3A_2 = vector.shape_cast %get3A_1 : vector<1x1280xf32> to vector<1280xf32>
    %get3A_3 = arith.constant 1 : index
    %get3A_4 = arith.constant 0 : index
    %get3A_5 = vector.load %arg3[%get3A_3, %get3A_4] : memref<2x1280xf32, #tpu.memory_space<vmem>>, vector<1x1280xf32>
    %get3A_6 = vector.shape_cast %get3A_5 : vector<1x1280xf32> to vector<1280xf32>
    %add3A = arith.addf %get3A_2, %get3A_6 : vector<1280xf32>
    %add3A_7 = arith.constant 1.000000e+00 : f32
    %add3A_8 = vector.broadcast %add3A_7 : f32 to vector<1280xf32>
    %add3A_9 = arith.addf %add3A, %add3A_8 : vector<1280xf32>
    %rsqrt3A = math.rsqrt %add3A_9 : vector<1280xf32>
    %get3A_10 = arith.constant 0 : index
    %get3A_11 = arith.constant 0 : index
    %get3A_12 = arith.constant 0 : index
    %get3A_13 = vector.load %arg1[%get3A_10, %get3A_11, %get3A_12] : memref<2x1280x128xf32, #tpu.memory_space<vmem>>, vector<1x1280x128xf32>
    %get3A_14 = vector.shape_cast %get3A_13 : vector<1x1280x128xf32> to vector<1280x128xf32>
    %get3A_15 = arith.constant 1 : index
    %get3A_16 = arith.constant 0 : index
    %get3A_17 = arith.constant 0 : index
    %get3A_18 = vector.load %arg1[%get3A_15, %get3A_16, %get3A_17] : memref<2x1280x128xf32, #tpu.memory_space<vmem>>, vector<1x1280x128xf32>
    %get3A_19 = vector.shape_cast %get3A_18 : vector<1x1280x128xf32> to vector<1280x128xf32>
    %add3A_20 = arith.addf %get3A_14, %get3A_19 : vector<1280x128xf32>
    %get3A_21 = arith.constant 0 : index
    %get3A_22 = arith.constant 0 : index
    %get3A_23 = vector.load %arg2[%get3A_21, %get3A_22] : memref<1280x128xf32, #tpu.memory_space<vmem>>, vector<1280x128xf32>
    %add3A_24 = arith.addf %add3A_20, %get3A_23 : vector<1280x128xf32>
    %broadcast_in_dim3A = vector.shape_cast %rsqrt3A : vector<1280xf32> to vector<1280x1xf32>
    %mul3A = vector.broadcast %broadcast_in_dim3A : vector<1280x1xf32> to vector<1280x128xf32>
    %mul3A_25 = arith.mulf %add3A_24, %mul3A : vector<1280x128xf32>
    %get3A_26 = arith.constant 0 : index
    %get3A_27 = arith.constant 0 : index
    %get3A_28 = vector.load %arg4[%get3A_26, %get3A_27] : memref<1x128xf32, #tpu.memory_space<vmem>>, vector<1x128xf32>
    %add3A_29 = vector.broadcast %get3A_28 : vector<1x128xf32> to vector<1280x128xf32>
    %add3A_30 = arith.addf %mul3A_25, %add3A_29 : vector<1280x128xf32>
    %swap3A = arith.constant 0 : index
    %swap3A_31 = arith.constant 0 : index
    %swap3A_32 = vector.load %arg5[%swap3A, %swap3A_31] : memref<1280x128xf32, #tpu.memory_space<vmem>>, vector<1280x128xf32>
    tpu.vector_store %arg5[%swap3A, %swap3A_31], %add3A_30 {strides = array<i32>} : memref<1280x128xf32, #tpu.memory_space<vmem>>, vector<1280x128xf32>,
    return
  }
  func.func @transform_0(%arg0: i32) -> (i32, i32, i32) {
    %c0_i32 = arith.constant 0 : i32
    %c0_i32_0 = arith.constant 0 : i32
    %c0_i32_1 = arith.constant 0 : i32
    return %c0_i32, %arg0, %c0_i32_0 : i32, i32, i32
  }
  func.func @transform_1(%arg0: i32) -> (i32, i32) {
    %c0_i32 = arith.constant 0 : i32
    %c0_i32_0 = arith.constant 0 : i32
    return %arg0, %c0_i32 : i32, i32
  }
  func.func @transform_2(%arg0: i32) -> (i32, i32) {
    %c0_i32 = arith.constant 0 : i32
    %c0_i32_0 = arith.constant 0 : i32
    return %c0_i32, %arg0 : i32, i32
  }
  func.func @transform_3(%arg0: i32) -> (i32, i32) {
    %c0_i32 = arith.constant 0 : i32
    %c0_i32_0 = arith.constant 0 : i32
    %c0_i32_1 = arith.constant 0 : i32
    return %c0_i32, %c0_i32_0 : i32, i32
  }
  func.func @transform_4(%arg0: i32) -> (i32, i32) {
    %c0_i32 = arith.constant 0 : i32
    %c0_i32_0 = arith.constant 0 : i32
    return %arg0, %c0_i32 : i32, i32
  }
}

</mosaic_0001>

<sc_bundles>
// kernel: kernel.10.cloned.1.call-start
scs
__scs_entry_jumppad:
0x0: {  	(pc) =	sbr.rel $0x88, $3  }
0x1: {  	(tag) =	ssettag $0x0;
	lr =	simm.s32 $0x1  }
0x2: {  	[smem:$0x3F9D] =	sst lr;
	_ =	strace $0xD0000000  }
0x3: {  	_ = 	snop  }
0x4: {  	_ = 	snop  }
0x5: {  	_ = 	snop  }
0x6: {  	_ = 	snop  }
0x7: {  	_ = 	snop  }
__scs_overlays_trampoline_lowered:
0x8: {  	[smem:$0x3FAC] =	sst s0  }
0x9: {  	[smem:$0x3FAD] =	sst s1  }
0xa: {  	[smem:$0x3FAE] =	sst s2  }
0xb: {  	[smem:$0x3FAF] =	sst s3  }
0xc: {  	[smem:$0x3FB0] =	sst s4  }
0xd: {  	[smem:$0x3FB1] =	sst s5  }
0xe: {  	[smem:$0x3FB2] =	sst s6  }
0xf: {  	[smem:$0x3FB3] =	sst s7  }
0x10: {  	[smem:$0x3FB4] =	sst s8  }
0x11: {  	[smem:$0x3FB5] =	sst s9;
	s0 =	simm.s32 @!p0 $0x0  }
0x12: {  	s1 =	sld [smem:$0x3F9B];
	s0 =	simm.s32 @p0 $0x1  }
0x13: {  	[smem:$0x3FB6] =	sst s0;
	s0 =	simm.s32 @!p1 $0x0  }
0x14: {  	s2 =	sld [smem:$0x3F9A];
	s0 =	simm.s32 @p1 $0x1  }
0x15: {  	[smem:$0x3FB7] =	sst s0;
	s0 =	simm.s32 @!p2 $0x0  }
0x16: {  	s3 =	sld [smem:$0x3FDB];
	s0 =	simm.s32 @p2 $0x1  }
0x17: {  	s4 =	simm.s32 $0x1BF5;
	[smem:$0x3FB9] =	sst s0  }
0x18: {  	s0 =	sld [smem:$0x3F9C];
	_ =	swait.ge [sflag:s4], $0x0  }
0x19: {  	s7 =	sld [smem:$0x3F9D]  }
0x1a: {  	s8 =	sadd.s32 $0xFFFFE003, lr  }
0x1b: {  	s9 =	sadd.s32 $0xFFFFFEF7, lr;
	s5 =	simm.s32 $0xFFFFFFFF;
	p2 =	slt.u32 s8, $0xFFFFF086  }
0x1c: {  	p1 =	slt.u32 s9, $0xF7A;
	s5 =	simm.s32 @!p2 $0x0  }
0x1d: {  	s5 =	simm.s32 @p1 $0x1;
	p0 =	seq.s32 s7, s2  }
0x1e: {  	s7 =	smul.u32 @!p0 $0xF7A, s2;
	p2 =	seq.s32 @!p0 s5, $0x0  }
0x1f: {  	s9 =	smul.u32 $0xF7A, s1;
	s8 =	simm.s32 @!p0 $0x1BF5;
	p2 =	por !p2, p0  }
0x20: {  	[sflag:s8] =	ssyncset.s32 @!p0 $0xFFFFF086;
	s6 =	sadd.s32 @!p0 s3, s7;
	s7 =	simm.s32 @!p0 $0x108  }
0x21: {  	s3 =	sadd.s32 s3, s9;
	s6 =	sadd.s32 @!p0 $0x88, s6;
	s7 =	simm.s32 @p2 $0x1082  }
0x22: {  	[simem:s7], [sflag:s8] =	dma.local @!p0 [hbm:s6], $0xF7A  }
0x23: {  	s9 =	sor.u32 $0xD0000000, s2;
	s6 =	simm.s32 $0x108;
	_ =	swait.ge @!p0 [sflag:s8], $0x0  }
0x24: {  	s3 =	sadd.s32 $0x88, s3;
	s6 =	simm.s32 @!p1 $0x1082;
	[sflag:s4] =	ssyncset.s32 $0xFFFFF086  }
0x25: {  	[simem:s6], [sflag:s4] =	dma.local [hbm:s3], $0xF7A  }
0x26: {  	[smem:$0x3F9D] =	sst s1;
	(tag) =	ssettag s2;
	_ =	strace s9  }
0x27: {  	s1 =	sld [smem:$0x3FAD]  }
0x28: {  	s2 =	sld [smem:$0x3FAE]  }
0x29: {  	s4 =	sld [smem:$0x3FB0]  }
0x2a: {  	p0 =	seq.s32 s5, $0x0;
	s5 =	sld [smem:$0x3FB1]  }
0x2b: {  	s6 =	sld [smem:$0x3FB2]  }
0x2c: {  	s7 =	sld [smem:$0x3FB3]  }
0x2d: {  	s3 =	simm.s32 $0x108;
	s8 =	sld [smem:$0x3FB4]  }
0x2e: {  	s3 =	simm.s32 @!p0 $0x1082;
	s9 =	sld [smem:$0x3FB5]  }
0x2f: {  	lr =	sadd.s32 s0, s3;
	s0 =	sld [smem:$0x3FAC]  }
0x30: {  	s3 =	sld [smem:$0x3FAF]  }
0x31: {  	[smem:$0x3FB8] =	sst s10  }
0x32: {  	s10 =	sld [smem:$0x3FB6];
	_ =	sdelay $0x3  }
0x33: {  	p0 =	seq.s32 s10, $0x1;
	s10 =	sld [smem:$0x3FB8];
	_ =	sdelay $0x3  }
0x34: {  	[smem:$0x3FB8] =	sst s10  }
0x35: {  	s10 =	sld [smem:$0x3FB7];
	_ =	sdelay $0x3  }
0x36: {  	p1 =	seq.s32 s10, $0x1;
	s10 =	sld [smem:$0x3FB8];
	_ =	sdelay $0x3  }
0x37: {  	[smem:$0x3FB8] =	sst s10  }
0x38: {  	s10 =	sld [smem:$0x3FB9]  }
0x39: {  	_ = 	snop;
	(pc) =	sbr.ind lr, $3  }
0x3a: {  	_ = 	snop  }
0x3b: {  	_ = 	snop  }
0x3c: {  	p2 =	seq.s32 s10, $0x1;
	s10 =	sld [smem:$0x3FB8]  }
0x3d: {  	_ =	shalt  }
0x3e: {  	_ =	shalt  }
0x3f: {  	_ =	shalt  }
0x40: {  	_ =	shalt  }
0x41: {  	_ =	shalt  }
0x42: {  	_ =	shalt  }
0x43: {  	_ =	shalt  }
0x44: {  	_ =	shalt  }
0x45: {  	_ =	shalt  }
0x46: {  	_ =	shalt  }
0x47: {  	_ =	shalt  }
0x48: {  	_ =	shalt  }
0x49: {  	_ =	shalt  }
0x4a: {  	_ =	shalt  }
0x4b: {  	_ =	shalt  }
0x4c: {  	_ =	shalt  }
0x4d: {  	_ =	shalt  }
0x4e: {  	_ =	shalt  }
0x4f: {  	_ =	shalt  }
0x50: {  	_ =	shalt  }
0x51: {  	_ =	shalt  }
0x52: {  	_ =	shalt  }
0x53: {  	_ =	shalt  }
0x54: {  	_ =	shalt  }
0x55: {  	_ =	shalt  }
0x56: {  	_ =	shalt  }
0x57: {  	_ =	shalt  }
0x58: {  	_ =	shalt  }
0x59: {  	_ =	shalt  }
0x5a: {  	_ =	shalt  }
0x5b: {  	_ =	shalt  }
0x5c: {  	_ =	shalt  }
0x5d: {  	_ =	shalt  }
0x5e: {  	_ =	shalt  }
0x5f: {  	_ =	shalt  }
0x60: {  	_ =	shalt  }
0x61: {  	_ =	shalt  }
0x62: {  	_ =	shalt  }
0x63: {  	_ =	shalt  }
0x64: {  	_ =	shalt  }
0x65: {  	_ =	shalt  }
0x66: {  	_ =	shalt  }
0x67: {  	_ =	shalt  }
0x68: {  	_ =	shalt  }
0x69: {  	_ =	shalt  }
0x6a: {  	_ =	shalt  }
0x6b: {  	_ =	shalt  }
0x6c: {  	_ =	shalt  }
0x6d: {  	_ =	shalt  }
0x6e: {  	_ =	shalt  }
0x6f: {  	_ =	shalt  }
0x70: {  	_ =	shalt  }
0x71: {  	_ =	shalt  }
0x72: {  	_ =	shalt  }
0x73: {  	_ =	shalt  }
0x74: {  	_ =	shalt  }
0x75: {  	_ =	shalt  }
0x76: {  	_ =	shalt  }
0x77: {  	_ =	shalt  }
0x78: {  	_ =	shalt  }
0x79: {  	_ =	shalt  }
0x7a: {  	_ =	shalt  }
0x7b: {  	_ =	shalt  }
0x7c: {  	_ =	shalt  }
0x7d: {  	_ =	shalt  }
0x7e: {  	_ =	shalt  }
0x7f: {  	_ =	shalt  }
0x80: {  	_ =	shalt  }
0x81: {  	_ =	shalt  }
0x82: {  	_ =	shalt  }
0x83: {  	_ =	shalt  }
0x84: {  	_ =	shalt  }
0x85: {  	_ =	shalt  }
0x86: {  	_ =	shalt  }
0x87: {  	_ =	shalt  }
.Lfunc_end0:
.L_simem_size_0:
called_computation.1_lowered:
.L_overlay_start_0:
0x88: {  	s2 =	sld [smem:$0x3FD9]  }
0x89: {  	s3 =	sld [smem:$0x3FFE];
	_ =	sdelay $0x1  }
0x8a: {  	s1 =	srdreg.scid  }
0x8b: {  	s0 =	sand.u32 $0x1, s1  }
0x8c: {  	s17 =	sshll.u32 s0, $0xA;
	s2 =	sadd.s32 s3, s2  }
0x8d: {  	s2 =	sadd.s32 s2, s17  }
0x8e: {  	[smem:$0x3FC4] =	sst s2  }
0x8f: {  	_ = 	snop  }
0x90: {  	s2 =	sld [smem:$0x3FD0];
	(tm) =	ssettm $0x1  }
0x91: {  	s18 =	sld [smem:$0x3FFB];
	_ =	sdelay $0x3  }
0x92: {  	_ =	strace s18  }
0x93: {  	s3 =	sld [smem:$0x3FFC];
	_ =	sdelay $0x3  }
0x94: {  	_ =	strace s3  }
0x95: {  	s3 =	sld [smem:$0x3FFD];
	_ =	sdelay $0x3  }
0x96: {  	_ =	strace s3  }
0x97: {  	_ =	strace $0x8FFFFFFF  }
0x98: {  	s19 =	sld [smem:$0x3FDB];
	_ =	sdelay $0x1  }
0x99: {  	s4 =	simm.s32 $_scs_section_size  }
0x9a: {  	s5 =	simm.s32 $_size__tile_overlayer_lowered;
	s6 =	simm.s32 $_tile_overlayer_lowered  }
0x9b: {  	s22 =	simm.s32 $0x1BFF;
	s21 =	sshll.u32 s6, $0x1;
	s3 =	sadd.s32 s4, s19  }
0x9c: {  	s7 =	simm.s32 $0x0;
	s20 =	sshll.u32 s5, $0x1;
	s5 =	sadd.s32 s21, s3  }
0x9d: {  	[timem:s7], [sflag:s22] =	dma.local [hbm:s5], s20  }
0x9e: {  	_ =	swait.ge [sflag:s22], s20  }
0x9f: {  	s4 =	ssub.s32 $0x0, s20;
	[sflag:s22] =	ssyncset.done $0x0  }
0xa0: {  	[sflag:s22] =	ssyncadd.s32 s4;
	_ =	sdelay $0x1  }
0xa1: {  	s23 =	simm.s32 $0x1B8B  }
0xa2: {  	_ =	swait.ge [sflag:s23], $0x1  }
0xa3: {  	[sflag:s23] =	ssyncset.done $0x0  }
0xa4: {  	s25 =	simm.s32 $0x1B8E;
	s24 =	sld [smem:$0x3FFE];
	[sflag:s23] =	ssyncadd.s32 $0xFFFFFFFF  }
0xa5: {  	s26 =	simm.s32 $execute0_lowered;
	[smem:$0x3FD2] =	sst s25  }
0xa6: {  	s5 =	sshll.u32 s26, $0x1;
	_ =	strace $0x80000049;
	[dreg:$0x1] =	wrdreg $0xFFFFFFFF  }
0xa7: {  	s28 =	simm.s32 $_size_execute0_lowered;
	s3 =	sadd.s32 s3, s5;
	[dreg:$0x0] =	wrdreg $0x0  }
0xa8: {  	s5 =	sshll.u32 s28, $0x1;
	[dreg:$0x2] =	wrdreg s3  }
0xa9: {  	[dreg:$0x3] =	wrdreg s5  }
0xaa: {  	[dreg:$0x4] =	wrdreg $0xC0  }
0xab: {  	_ =	task [dreg:s7], $0x5FFFF  }
0xac: {  	[dreg:$0x1] =	wrdreg $0xFFFFFFFF  }
0xad: {  	[dreg:$0x0] =	wrdreg $0x60  }
0xae: {  	[dreg:$0x2] =	wrdreg s24  }
0xaf: {  	[dreg:$0x3] =	wrdreg s2  }
0xb0: {  	[dreg:$0x4] =	wrdreg $0xA8000  }
0xb1: {  	[dreg:$0x5] =	wrdreg $0x9  }
0xb2: {  	_ =	task.clear_ibuf [dreg:s7], $0x6FFFF;
	_ =	strace $0x90000049  }
0xb3: {  	s29 =	simm.s32 $0x9;
	_ =	strace $0x8000004B  }
0xb4: {  	_ =	swait.ge [sflag:s29], $0x1  }
0xb5: {  	[sflag:s29] =	ssyncadd.s32 $0xFFFFFFFF  }
0xb6: {  	_ =	strace $0x9000004B  }
0xb7: {  	_ =	sfence  }
0xb8: {  	s30 =	sld [smem:$0x0];
	_ =	sdelay $0x2  }
0xb9: {  	s31 =	sshll.u32 s1, $0xD;
	s1 =	sshrl.u32 s1, $0x2  }
0xba: {  	s3 =	sand.u32 $0x4000, s31;
	s1 =	sadd.s32 s1, s30  }
0xbb: {  	s0 =	sor.u32 s3, s0;
	s1 =	sshll.u32 s1, $0x11  }
0xbc: {  	s0 =	sor.u32 s1, s0  }
0xbd: {  	s0 =	sadd.s32 $0x8F2B, s0  }
0xbe: {  	[sflag:s0] =	ssyncadd.remote.s32 $0x1  }
0xbf: {  	_ =	sfence.sel $0xFFFF  }
0xc0: {  	[dreg:$0x0] =	wrdreg $0xFFFFFFFF;
	(pc) =	sbr.abs _section_cstart, $3  }
0xc1: {  	[dreg:$0x1] =	wrdreg $0xFFFFFFFF  }
0xc2: {  	_ =	task.clear_ibuf [dreg:s7], $0x2FFFF;
	_ =	strace $0x9FFFFFFF  }
0xc3: {  	(tm) =	ssettm $0x7FFFFFFF  }
tec
execute0_lowered:
.L_overlay_start_1:
0x0: {  	(tag) =	ssettag $0x1  }
0x1: {  	s6 =	rddreg [dreg:$0x0]  }
0x2: {  	s13 =	rddreg [dreg:$0x1]  }
0x3: {  	s1 =	rddreg [dreg:$0x2];
	s2 =	srdreg.scid;
	s3 =	simm.s32 $0x0  }
0x4: {  	s0 =	stileid.u32;
	s19 =	simm.s32 $0x1400;
	s20 =	simm.s32 $0x80  }
0x5: {  	s21 =	simm.s32 $0x6800;
	s22 =	simm.s32 $0x1;
	s23 =	simm.s32 $0x2  }
0x6: {  	s24 =	simm.s32 $0x1380;
	s25 =	simm.s32 $0x2700;
	s28 =	simm.s32 $0x0  }
0x7: {  	s7 =	sand.u32 $0x1, s2;
	[smem:$0x7FF] =	sst s3;
	s8 =	smul.u32 $0x14000, s0  }
0x8: {  	s4 =	sadd.s32 $0xBC00, s6;
	s9 =	smul.u32 $0x50000, s0;
	s29 =	sshll.u32 s0, $0x1  }
0x9: {  	s14 =	sadd.s32 $0x1C00, s6;
	s5 =	smul.u32 $0x140000, s7;
	s11 =	sor.u32 s7, s29  }
0xa: {  	_ =	strace $0x8000004A;
	s26 =	ssub.s32 $0x2, s7;
	s12 =	smul.u32 $0x2800, s11  }
0xb: {  	s10 =	sshrl.u32 s26, $0x1;
	s30 =	sshrl.u32 s9, $0x2;
	s17 =	smul.u32 $0x500, s11  }
0xc: {  	s8 =	sadd.s32 s8, s5;
	s5 =	sadd.s32 $0x33C00, s6;
	s16 =	ssub.s32 s26, s10  }
0xd: {  	s26 =	simm.s32 $0x2780;
	s8 =	sshrl.u32 s8, $0x3;
	s18 =	sshrl.u32 s12, $0x3  }
0xe: {  	s11 =	sadd.s32 s13, s17;
	s12 =	sadd.s32 s14, s17;
	s16 =	smax.u32 s16, $0x1  }
0xf: {  	s17 =	simm.s32 $0x2800;
	s15 =	sadd.s32 s8, s6;
	s6 =	sadd.s32 s30, s1  }
0x10: {  	s31 =	sadd.s32 $0x280, s18;
	s18 =	simm.s32 $0x3;
	s7 =	sadd.s32 $0x4000, s6  }
0x11: {  	s8 =	sadd.s32 $0x8000, s6;
	s9 =	sadd.s32 $0xC000, s6;
	s10 =	sadd.s32 $0x10000, s6  }
0x12: {  	s13 =	sadd.s32 s13, s31;
	s14 =	sadd.s32 s14, s31;
	s15 =	sadd.s32 $0x34400, s15  }
.LBB2_1:
0x13: {  	[tilespmem:s17], [sflag:$0x3] =	stream.linear.gather [hbm4b:s5+s3], $0x4000, $0x38;
	[tilespmem:$0x1E800] =	vst v63  }
0x14: {  	_ =	swait.ge [sflag:s18], $0x4000  }
0x15: {  	[sflag:s18] =	ssyncset.done $0x0  }
0x16: {  	[sflag:s18] =	ssyncadd.s32 $0xFFFFC000  }
0x17: {  	[spmem:s6] =	stream.linear.scatter [tilespmem:s17], [sflag:$0x3], $0x4000, $0x38;
	[tilespmem:$0x1E800] =	vst v63  }
0x18: {  	_ =	swait.ge [sflag:s18], $0x4000  }
0x19: {  	[sflag:s18] =	ssyncset.done $0x0  }
0x1a: {  	[sflag:s18] =	ssyncadd.s32 $0xFFFFC000  }
0x1b: {  	[spmem:s7] =	stream.linear.scatter [tilespmem:s17], [sflag:$0x3], $0x4000, $0x38;
	[tilespmem:$0x1E800] =	vst v63  }
0x1c: {  	_ =	swait.ge [sflag:s18], $0x4000  }
0x1d: {  	[sflag:s18] =	ssyncset.done $0x0  }
0x1e: {  	[sflag:s18] =	ssyncadd.s32 $0xFFFFC000  }
0x1f: {  	[spmem:s8] =	stream.linear.scatter [tilespmem:s17], [sflag:$0x3], $0x4000, $0x38;
	[tilespmem:$0x1E800] =	vst v63  }
0x20: {  	_ =	swait.ge [sflag:s18], $0x4000  }
0x21: {  	[sflag:s18] =	ssyncset.done $0x0  }
0x22: {  	[sflag:s18] =	ssyncadd.s32 $0xFFFFC000  }
0x23: {  	[spmem:s9] =	stream.linear.scatter [tilespmem:s17], [sflag:$0x3], $0x4000, $0x38;
	[tilespmem:$0x1E800] =	vst v63  }
0x24: {  	_ =	swait.ge [sflag:s18], $0x4000  }
0x25: {  	[sflag:s18] =	ssyncset.done $0x0  }
0x26: {  	[sflag:s18] =	ssyncadd.s32 $0xFFFFC000  }
0x27: {  	[spmem:s10] =	stream.linear.scatter [tilespmem:s17], [sflag:$0x3], $0x4000, $0x38;
	[tilespmem:$0x1E800] =	vst v63  }
0x28: {  	_ =	swait.ge [sflag:s18], $0x4000  }
0x29: {  	[sflag:s18] =	ssyncset.done $0x0  }
0x2a: {  	[sflag:s18] =	ssyncadd.s32 $0xFFFFC000  }
0x2b: {  	[bflag:$0x0] =	sbarrier.arrive $0xFFFF  }
0x2c: {  	[tilespmem:s3], [sflag:$0x3] =	stream.linear.gather [hbm4b:s11+s3], $0x1400, $0x38;
	[tilespmem:$0x1E800] =	vst v63  }
0x2d: {  	_ =	swait.ge [sflag:s18], $0x1400  }
0x2e: {  	[sflag:s18] =	ssyncset.done $0x0  }
0x2f: {  	[sflag:s18] =	ssyncadd.s32 $0xFFFFEC00  }
0x30: {  	[tilespmem:s19], [sflag:$0x3] =	stream.linear.gather [hbm4b:s12+s3], $0x1400, $0x38;
	[tilespmem:$0x1E800] =	vst v63  }
0x31: {  	_ =	swait.ge [sflag:s18], $0x1400  }
0x32: {  	[sflag:s18] =	ssyncset.done $0x0  }
0x33: {  	[sflag:s18] =	ssyncadd.s32 $0xFFFFEC00  }
0x34: {  	[tilespmem:s17], [sflag:$0x1] =	stream.indirect.gather [hbm4b:s4+s20], $0x80, s3, s20, $0xb8;
	[tilespmem:$0x1E800] =	vst v63  }
0x35: {  	s29 =	simm.s32 $0x80  }
0x36: {  	[tilespmem:s21], [sflag:$0x2] =	stream.indirect.gather [hbm4b:s4+s20], $0x80, s29, s20, $0xb8;
	[tilespmem:$0x1E800] =	vst v63  }
0x37: {  	_ =	swait.ge [sflag:s22], $0x4000  }
0x38: {  	[sflag:s22] =	ssyncset.done $0x0  }
0x39: {  	s29 =	simm.s32 $0x1400;
	[sflag:s22] =	ssyncadd.s32 $0xFFFFC000  }
0x3a: {  	[spmem:s1] =	stream.indirect.scatter.add.f32 [tilespmem:s17], [sflag:$0x3], $0x80, s29, s20, $0xb8;
	[tilespmem:$0x1E800] =	vst v63  }
0x3b: {  	_ =	swait.ge [sflag:s18], $0x4000  }
0x3c: {  	[sflag:s18] =	ssyncset.done $0x0  }
0x3d: {  	s29 =	simm.s32 $0x100;
	[sflag:s18] =	ssyncadd.s32 $0xFFFFC000  }
0x3e: {  	[tilespmem:s17], [sflag:$0x1] =	stream.indirect.gather [hbm4b:s4+s20], $0x80, s29, s20, $0xb8;
	[tilespmem:$0x1E800] =	vst v63  }
0x3f: {  	_ =	swait.ge [sflag:s23], $0x4000  }
0x40: {  	[sflag:s23] =	ssyncset.done $0x0  }
0x41: {  	s29 =	simm.s32 $0x1480;
	[sflag:s23] =	ssyncadd.s32 $0xFFFFC000  }
0x42: {  	[spmem:s1] =	stream.indirect.scatter.add.f32 [tilespmem:s21], [sflag:$0x3], $0x80, s29, s20, $0xb8;
	[tilespmem:$0x1E800] =	vst v63  }
0x43: {  	_ =	swait.ge [sflag:s18], $0x4000  }
0x44: {  	s30 =	simm.s32 $0x800;
	s29 =	simm.s32 $0x100;
	[sflag:s18] =	ssyncset.done $0x0  }
.LBB2_2:
0x45: {  	s31 =	sadd.s32 $0x80, s29  }
0x46: {  	[sflag:s18] =	ssyncadd.s32 $0xFFFFC000;
	s0 =	smov.u32 s30;
	s2 =	sadd.s32 $0x400, s30  }
0x47: {  	[tilespmem:s21], [sflag:$0x2] =	stream.indirect.gather [hbm4b:s4+s20], $0x80, s31, s20, $0xb8;
	[tilespmem:$0x1E800] =	vst v63  }
0x48: {  	p0 =	sne.s32 s30, $0x4800;
	_ =	swait.ge [sflag:s22], $0x4000  }
0x49: {  	[sflag:s22] =	ssyncset.done $0x0  }
0x4a: {  	s30 =	sadd.s32 $0x1400, s29;
	[sflag:s22] =	ssyncadd.s32 $0xFFFFC000  }
0x4b: {  	[spmem:s1] =	stream.indirect.scatter.add.f32 [tilespmem:s17], [sflag:$0x3], $0x80, s30, s20, $0xb8;
	[tilespmem:$0x1E800] =	vst v63  }
0x4c: {  	_ =	swait.ge [sflag:s18], $0x4000  }
0x4d: {  	[sflag:s18] =	ssyncset.done $0x0  }
0x4e: {  	s30 =	sadd.s32 $0x100, s29;
	[sflag:s18] =	ssyncadd.s32 $0xFFFFC000  }
0x4f: {  	[tilespmem:s17], [sflag:$0x1] =	stream.indirect.gather [hbm4b:s4+s20], $0x80, s30, s20, $0xb8;
	[tilespmem:$0x1E800] =	vst v63  }
0x50: {  	_ =	swait.ge [sflag:s23], $0x4000  }
.Ltmp0:
0x51: {  	[sflag:s23] =	ssyncset.done $0x0;
	(pc) =	sbr.rel @p0 .LBB2_2-.Ltmp0, $4  }
0x52: {  	s29 =	sadd.s32 $0x1480, s29;
	[sflag:s23] =	ssyncadd.s32 $0xFFFFC000  }
0x53: {  	[spmem:s1] =	stream.indirect.scatter.add.f32 [tilespmem:s21], [sflag:$0x3], $0x80, s29, s20, $0xb8;
	[tilespmem:$0x1E800] =	vst v63  }
0x54: {  	_ =	swait.ge [sflag:s18], $0x4000  }
0x55: {  	s30 =	smov.u32 s2;
	s29 =	sshra.s32 s0, $0x2;
	[sflag:s18] =	ssyncset.done $0x0  }
0x56: {  	s0 =	sadd.s32 $0x80, s29;
	[sflag:s18] =	ssyncadd.s32 $0xFFFFC000  }
0x57: {  	[tilespmem:s21], [sflag:$0x2] =	stream.indirect.gather [hbm4b:s4+s20], $0x80, s0, s20, $0xb8;
	[tilespmem:$0x1E800] =	vst v63  }
0x58: {  	_ =	swait.ge [sflag:s22], $0x4000  }
0x59: {  	[sflag:s22] =	ssyncset.done $0x0  }
0x5a: {  	s2 =	sadd.s32 $0x1400, s29;
	[sflag:s22] =	ssyncadd.s32 $0xFFFFC000  }
0x5b: {  	[spmem:s1] =	stream.indirect.scatter.add.f32 [tilespmem:s17], [sflag:$0x3], $0x80, s2, s20, $0xb8;
	[tilespmem:$0x1E800] =	vst v63  }
0x5c: {  	_ =	swait.ge [sflag:s18], $0x4000  }
0x5d: {  	[sflag:s18] =	ssyncset.done $0x0  }
0x5e: {  	s31 =	sadd.s32 $0x100, s29;
	[sflag:s18] =	ssyncadd.s32 $0xFFFFC000  }
0x5f: {  	[tilespmem:s17], [sflag:$0x1] =	stream.indirect.gather [hbm4b:s4+s20], $0x80, s31, s20, $0xb8;
	[tilespmem:$0x1E800] =	vst v63  }
0x60: {  	_ =	swait.ge [sflag:s23], $0x4000  }
0x61: {  	[sflag:s23] =	ssyncset.done $0x0  }
0x62: {  	s2 =	sadd.s32 $0x1480, s29;
	[sflag:s23] =	ssyncadd.s32 $0xFFFFC000  }
0x63: {  	[spmem:s1] =	stream.indirect.scatter.add.f32 [tilespmem:s21], [sflag:$0x3], $0x80, s2, s20, $0xb8;
	[tilespmem:$0x1E800] =	vst v63  }
0x64: {  	_ =	swait.ge [sflag:s18], $0x4000  }
0x65: {  	[sflag:s18] =	ssyncset.done $0x0  }
0x66: {  	[sflag:s18] =	ssyncadd.s32 $0xFFFFC000  }
0x67: {  	[tilespmem:s21], [sflag:$0x2] =	stream.indirect.gather [hbm4b:s4+s20], $0x80, s24, s20, $0xb8;
	[tilespmem:$0x1E800] =	vst v63  }
0x68: {  	_ =	swait.ge [sflag:s22], $0x4000  }
0x69: {  	[sflag:s22] =	ssyncset.done $0x0  }
0x6a: {  	[sflag:s22] =	ssyncadd.s32 $0xFFFFC000  }
0x6b: {  	[spmem:s1] =	stream.indirect.scatter.add.f32 [tilespmem:s17], [sflag:$0x3], $0x80, s25, s20, $0xb8;
	[tilespmem:$0x1E800] =	vst v63  }
0x6c: {  	_ =	swait.ge [sflag:s18], $0x4000  }
0x6d: {  	[sflag:s18] =	ssyncset.done $0x0  }
0x6e: {  	[sflag:s18] =	ssyncadd.s32 $0xFFFFC000  }
0x6f: {  	_ =	swait.ge [sflag:s23], $0x4000  }
0x70: {  	[sflag:s23] =	ssyncset.done $0x0  }
0x71: {  	[sflag:s23] =	ssyncadd.s32 $0xFFFFC000  }
0x72: {  	[spmem:s1] =	stream.indirect.scatter.add.f32 [tilespmem:s21], [sflag:$0x3], $0x80, s26, s20, $0xb8;
	[tilespmem:$0x1E800] =	vst v63  }
0x73: {  	_ =	swait.ge [sflag:s18], $0x4000  }
0x74: {  	[sflag:s18] =	ssyncset.done $0x0  }
0x75: {  	s31 =	simm.s32 $0x0;
	[sflag:s18] =	ssyncadd.s32 $0xFFFFC000  }
0x76: {  	[tilespmem:s31], [sflag:$0x3] =	stream.linear.gather [hbm4b:s13+s31], $0x1400, $0x38;
	[tilespmem:$0x1E800] =	vst v63  }
0x77: {  	_ =	swait.ge [sflag:s18], $0x1400  }
0x78: {  	[sflag:s18] =	ssyncset.done $0x0  }
0x79: {  	[sflag:s18] =	ssyncadd.s32 $0xFFFFEC00  }
0x7a: {  	[tilespmem:s19], [sflag:$0x3] =	stream.linear.gather [hbm4b:s14+s31], $0x1400, $0x38;
	[tilespmem:$0x1E800] =	vst v63  }
0x7b: {  	_ =	swait.ge [sflag:s18], $0x1400  }
0x7c: {  	[sflag:s18] =	ssyncset.done $0x0  }
0x7d: {  	[sflag:s18] =	ssyncadd.s32 $0xFFFFEC00  }
0x7e: {  	[tilespmem:s17], [sflag:$0x1] =	stream.indirect.gather [hbm4b:s4+s20], $0x80, s31, s20, $0xb8;
	[tilespmem:$0x1E800] =	vst v63  }
0x7f: {  	s2 =	simm.s32 $0x80  }
0x80: {  	[tilespmem:s21], [sflag:$0x2] =	stream.indirect.gather [hbm4b:s4+s20], $0x80, s2, s20, $0xb8;
	[tilespmem:$0x1E800] =	vst v63  }
0x81: {  	_ =	swait.ge [sflag:s22], $0x4000  }
0x82: {  	[sflag:s22] =	ssyncset.done $0x0  }
0x83: {  	s31 =	simm.s32 $0x1400;
	[sflag:s22] =	ssyncadd.s32 $0xFFFFC000  }
0x84: {  	[spmem:s1] =	stream.indirect.scatter.add.f32 [tilespmem:s17], [sflag:$0x3], $0x80, s31, s20, $0xb8;
	[tilespmem:$0x1E800] =	vst v63  }
0x85: {  	_ =	swait.ge [sflag:s18], $0x4000  }
0x86: {  	[sflag:s18] =	ssyncset.done $0x0  }
0x87: {  	s2 =	simm.s32 $0x100;
	[sflag:s18] =	ssyncadd.s32 $0xFFFFC000  }
0x88: {  	[tilespmem:s17], [sflag:$0x1] =	stream.indirect.gather [hbm4b:s4+s20], $0x80, s2, s20, $0xb8;
	[tilespmem:$0x1E800] =	vst v63  }
0x89: {  	_ =	swait.ge [sflag:s23], $0x4000  }
0x8a: {  	[sflag:s23] =	ssyncset.done $0x0  }
0x8b: {  	s31 =	simm.s32 $0x1480;
	[sflag:s23] =	ssyncadd.s32 $0xFFFFC000  }
0x8c: {  	[spmem:s1] =	stream.indirect.scatter.add.f32 [tilespmem:s21], [sflag:$0x3], $0x80, s31, s20, $0xb8;
	[tilespmem:$0x1E800] =	vst v63  }
0x8d: {  	_ =	swait.ge [sflag:s18], $0x4000  }
0x8e: {  	s30 =	simm.s32 $0x800;
	s29 =	simm.s32 $0x100;
	[sflag:s18] =	ssyncset.done $0x0  }
.LBB2_4:
0x8f: {  	s0 =	sadd.s32 $0x80, s29  }
0x90: {  	[sflag:s18] =	ssyncadd.s32 $0xFFFFC000;
	s2 =	smov.u32 s30;
	s31 =	sadd.s32 $0x400, s30  }
0x91: {  	[tilespmem:s21], [sflag:$0x2] =	stream.indirect.gather [hbm4b:s4+s20], $0x80, s0, s20, $0xb8;
	[tilespmem:$0x1E800] =	vst v63  }
0x92: {  	p0 =	sne.s32 s30, $0x4800;
	_ =	swait.ge [sflag:s22], $0x4000  }
0x93: {  	[sflag:s22] =	ssyncset.done $0x0  }
0x94: {  	s0 =	sadd.s32 $0x1400, s29;
	[sflag:s22] =	ssyncadd.s32 $0xFFFFC000  }
0x95: {  	[spmem:s1] =	stream.indirect.scatter.add.f32 [tilespmem:s17], [sflag:$0x3], $0x80, s0, s20, $0xb8;
	[tilespmem:$0x1E800] =	vst v63  }
0x96: {  	_ =	swait.ge [sflag:s18], $0x4000  }
0x97: {  	[sflag:s18] =	ssyncset.done $0x0  }
0x98: {  	s0 =	sadd.s32 $0x100, s29;
	[sflag:s18] =	ssyncadd.s32 $0xFFFFC000  }
0x99: {  	[tilespmem:s17], [sflag:$0x1] =	stream.indirect.gather [hbm4b:s4+s20], $0x80, s0, s20, $0xb8;
	[tilespmem:$0x1E800] =	vst v63  }
0x9a: {  	_ =	swait.ge [sflag:s23], $0x4000  }
.Ltmp1:
0x9b: {  	[sflag:s23] =	ssyncset.done $0x0;
	(pc) =	sbr.rel @p0 .LBB2_4-.Ltmp1, $4  }
0x9c: {  	s0 =	sadd.s32 $0x1480, s29;
	[sflag:s23] =	ssyncadd.s32 $0xFFFFC000  }
0x9d: {  	[spmem:s1] =	stream.indirect.scatter.add.f32 [tilespmem:s21], [sflag:$0x3], $0x80, s0, s20, $0xb8;
	[tilespmem:$0x1E800] =	vst v63  }
0x9e: {  	_ =	swait.ge [sflag:s18], $0x4000  }
0x9f: {  	s30 =	smov.u32 s31;
	s29 =	sshra.s32 s2, $0x2;
	[sflag:s18] =	ssyncset.done $0x0  }
0xa0: {  	s0 =	sadd.s32 $0x80, s29;
	[sflag:s18] =	ssyncadd.s32 $0xFFFFC000  }
0xa1: {  	[tilespmem:s21], [sflag:$0x2] =	stream.indirect.gather [hbm4b:s4+s20], $0x80, s0, s20, $0xb8;
	[tilespmem:$0x1E800] =	vst v63  }
0xa2: {  	_ =	swait.ge [sflag:s22], $0x4000  }
0xa3: {  	[sflag:s22] =	ssyncset.done $0x0  }
0xa4: {  	s31 =	sadd.s32 $0x1400, s29;
	[sflag:s22] =	ssyncadd.s32 $0xFFFFC000  }
0xa5: {  	[spmem:s1] =	stream.indirect.scatter.add.f32 [tilespmem:s17], [sflag:$0x3], $0x80, s31, s20, $0xb8;
	[tilespmem:$0x1E800] =	vst v63  }
0xa6: {  	_ =	swait.ge [sflag:s18], $0x4000  }
0xa7: {  	[sflag:s18] =	ssyncset.done $0x0  }
0xa8: {  	s2 =	sadd.s32 $0x100, s29;
	[sflag:s18] =	ssyncadd.s32 $0xFFFFC000  }
0xa9: {  	[tilespmem:s17], [sflag:$0x1] =	stream.indirect.gather [hbm4b:s4+s20], $0x80, s2, s20, $0xb8;
	[tilespmem:$0x1E800] =	vst v63  }
0xaa: {  	_ =	swait.ge [sflag:s23], $0x4000  }
0xab: {  	[sflag:s23] =	ssyncset.done $0x0  }
0xac: {  	s30 =	sadd.s32 $0x1480, s29;
	[sflag:s23] =	ssyncadd.s32 $0xFFFFC000  }
0xad: {  	[spmem:s1] =	stream.indirect.scatter.add.f32 [tilespmem:s21], [sflag:$0x3], $0x80, s30, s20, $0xb8;
	[tilespmem:$0x1E800] =	vst v63  }
0xae: {  	_ =	swait.ge [sflag:s18], $0x4000  }
0xaf: {  	[sflag:s18] =	ssyncset.done $0x0  }
0xb0: {  	[sflag:s18] =	ssyncadd.s32 $0xFFFFC000  }
0xb1: {  	[tilespmem:s21], [sflag:$0x2] =	stream.indirect.gather [hbm4b:s4+s20], $0x80, s24, s20, $0xb8;
	[tilespmem:$0x1E800] =	vst v63  }
0xb2: {  	_ =	swait.ge [sflag:s22], $0x4000  }
0xb3: {  	[sflag:s22] =	ssyncset.done $0x0  }
0xb4: {  	[sflag:s22] =	ssyncadd.s32 $0xFFFFC000  }
0xb5: {  	[spmem:s1] =	stream.indirect.scatter.add.f32 [tilespmem:s17], [sflag:$0x3], $0x80, s25, s20, $0xb8;
	[tilespmem:$0x1E800] =	vst v63  }
0xb6: {  	_ =	swait.ge [sflag:s18], $0x4000  }
0xb7: {  	[sflag:s18] =	ssyncset.done $0x0  }
0xb8: {  	[sflag:s18] =	ssyncadd.s32 $0xFFFFC000  }
0xb9: {  	_ =	swait.ge [sflag:s23], $0x4000  }
0xba: {  	[sflag:s23] =	ssyncset.done $0x0  }
0xbb: {  	[sflag:s23] =	ssyncadd.s32 $0xFFFFC000  }
0xbc: {  	[spmem:s1] =	stream.indirect.scatter.add.f32 [tilespmem:s21], [sflag:$0x3], $0x80, s26, s20, $0xb8;
	[tilespmem:$0x1E800] =	vst v63  }
0xbd: {  	s31 =	stileid.u32;
	_ =	swait.ge [sflag:s18], $0x4000  }
0xbe: {  	s28 =	sadd.s32 $0x1, s28;
	s0 =	sshll.u32 s31, $0x6;
	[sflag:s18] =	ssyncset.done $0x0  }
0xbf: {  	p0 =	sne.s32 s28, s16;
	s0 =	sor.u32 $0x1C03, s0;
	[sflag:s18] =	ssyncadd.s32 $0xFFFFC000  }
.Ltmp2:
0xc0: {  	s2 =	sshrl.u32 s6, $0x3;
	[bflag:$0x0] =	sbarrier.arrive $0xFFFF;
	(pc) =	sbr.rel @p0 .LBB2_1-.Ltmp2, $4  }
0xc1: {  	[hbm:s15], [sflag:s0] =	dma.local [spmem:s2], $0x2800  }
0xc2: {  	_ =	swait.ge [sflag:s18], $0x2800  }
0xc3: {  	[sflag:s18] =	ssyncset.done $0x0  }
0xc4: {  	[sflag:s18] =	ssyncadd.s32 $0xFFFFD800  }
0xc5: {  	_ =	sfence.sel $0x180000  }
0xc6: {  	[bflag:$0x0] =	sbarrier.arrive $0xFFFF  }
0xc7: {  	_ =	strace $0x9000004A  }
0xc8: {  	s0 =	stileid.u32;
	[bflag:$0x2] =	sbarrier.arrive $0xFFFF  }
0xc9: {  	p0 =	sne.s32 s0, $0x0;
	s0 =	rddreg [dreg:$0x3]  }
0xca: {  	s0 =	sadd.s32 @!p0 $0x100000, s0  }
0xcb: {  	[sflag:s0] =	ssyncadd.tile.s32 @!p0 $0x1;
	_ =	shalt  }
.Lfunc_end2:
_tile_overlayer_lowered:
.L_overlay_start_2:
0xcc: {  	(tag) =	ssettag $0x2  }
0xcd: {  	s0 =	rddreg [dreg:$0x0];
	s2 =	stileid.u32  }
0xce: {  	s1 =	rddreg [dreg:$0x1];
	p0 =	sne.s32 s2, $0x0  }
0xcf: {  	s3 =	rddreg [dreg:$0x2];
	[bflag:$0x3] =	sbarrier.arrive $0xFFFF;
	s2 =	simm.s32 @!p0 $0x1C03  }
0xd0: {  	[timem:s3], [sflag:s2] =	dma.local @!p0 [hbm:s0], s1  }
0xd1: {  	s0 =	simm.s32 @!p0 $0x3  }
0xd2: {  	_ =	swait.ge @!p0 [sflag:s0], s1  }
0xd3: {  	s1 =	ssub.s32 @!p0 $0x0, s1;
	[sflag:s0] =	ssyncset.done @!p0 $0x0  }
0xd4: {  	[sflag:s0] =	ssyncadd.s32 @!p0 s1  }
0xd5: {  	[bflag:$0x3] =	sbarrier.arrive $0xFFFF  }
0xd6: {  	_ =	shalt  }

// kernel: kernel.7.cloned.1.call-start
scs
__scs_entry_jumppad:
0x0: {  	(pc) =	sbr.rel $0x88, $3  }
0x1: {  	(tag) =	ssettag $0x0;
	lr =	simm.s32 $0x1  }
0x2: {  	[smem:$0x3F9D] =	sst lr;
	_ =	strace $0xD0000000  }
0x3: {  	_ = 	snop  }
0x4: {  	_ = 	snop  }
0x5: {  	_ = 	snop  }
0x6: {  	_ = 	snop  }
0x7: {  	_ = 	snop  }
__scs_overlays_trampoline_lowered:
0x8: {  	[smem:$0x3FAC] =	sst s0  }
0x9: {  	[smem:$0x3FAD] =	sst s1  }
0xa: {  	[smem:$0x3FAE] =	sst s2  }
0xb: {  	[smem:$0x3FAF] =	sst s3  }
0xc: {  	[smem:$0x3FB0] =	sst s4  }
0xd: {  	[smem:$0x3FB1] =	sst s5  }
0xe: {  	[smem:$0x3FB2] =	sst s6  }
0xf: {  	[smem:$0x3FB3] =	sst s7  }
0x10: {  	[smem:$0x3FB4] =	sst s8  }
0x11: {  	[smem:$0x3FB5] =	sst s9;
	s0 =	simm.s32 @!p0 $0x0  }
0x12: {  	s1 =	sld [smem:$0x3F9B];
	s0 =	simm.s32 @p0 $0x1  }
0x13: {  	[smem:$0x3FB6] =	sst s0;
	s0 =	simm.s32 @!p1 $0x0  }
0x14: {  	s2 =	sld [smem:$0x3F9A];
	s0 =	simm.s32 @p1 $0x1  }
0x15: {  	[smem:$0x3FB7] =	sst s0;
	s0 =	simm.s32 @!p2 $0x0  }
0x16: {  	s3 =	sld [smem:$0x3FDB];
	s0 =	simm.s32 @p2 $0x1  }
0x17: {  	s4 =	simm.s32 $0x1BF5;
	[smem:$0x3FB9] =	sst s0  }
0x18: {  	s0 =	sld [smem:$0x3F9C];
	_ =	swait.ge [sflag:s4], $0x0  }
0x19: {  	s7 =	sld [smem:$0x3F9D]  }
0x1a: {  	s8 =	sadd.s32 $0xFFFFE003, lr  }
0x1b: {  	s9 =	sadd.s32 $0xFFFFFEF7, lr;
	s5 =	simm.s32 $0xFFFFFFFF;
	p2 =	slt.u32 s8, $0xFFFFF086  }
0x1c: {  	p1 =	slt.u32 s9, $0xF7A;
	s5 =	simm.s32 @!p2 $0x0  }
0x1d: {  	s5 =	simm.s32 @p1 $0x1;
	p0 =	seq.s32 s7, s2  }
0x1e: {  	s7 =	smul.u32 @!p0 $0xF7A, s2;
	p2 =	seq.s32 @!p0 s5, $0x0  }
0x1f: {  	s9 =	smul.u32 $0xF7A, s1;
	s8 =	simm.s32 @!p0 $0x1BF5;
	p2 =	por !p2, p0  }
0x20: {  	[sflag:s8] =	ssyncset.s32 @!p0 $0xFFFFF086;
	s6 =	sadd.s32 @!p0 s3, s7;
	s7 =	simm.s32 @!p0 $0x108  }
0x21: {  	s3 =	sadd.s32 s3, s9;
	s6 =	sadd.s32 @!p0 $0x88, s6;
	s7 =	simm.s32 @p2 $0x1082  }
0x22: {  	[simem:s7], [sflag:s8] =	dma.local @!p0 [hbm:s6], $0xF7A  }
0x23: {  	s9 =	sor.u32 $0xD0000000, s2;
	s6 =	simm.s32 $0x108;
	_ =	swait.ge @!p0 [sflag:s8], $0x0  }
0x24: {  	s3 =	sadd.s32 $0x88, s3;
	s6 =	simm.s32 @!p1 $0x1082;
	[sflag:s4] =	ssyncset.s32 $0xFFFFF086  }
0x25: {  	[simem:s6], [sflag:s4] =	dma.local [hbm:s3], $0xF7A  }
0x26: {  	[smem:$0x3F9D] =	sst s1;
	(tag) =	ssettag s2;
	_ =	strace s9  }
0x27: {  	s1 =	sld [smem:$0x3FAD]  }
0x28: {  	s2 =	sld [smem:$0x3FAE]  }
0x29: {  	s4 =	sld [smem:$0x3FB0]  }
0x2a: {  	p0 =	seq.s32 s5, $0x0;
	s5 =	sld [smem:$0x3FB1]  }
0x2b: {  	s6 =	sld [smem:$0x3FB2]  }
0x2c: {  	s7 =	sld [smem:$0x3FB3]  }
0x2d: {  	s3 =	simm.s32 $0x108;
	s8 =	sld [smem:$0x3FB4]  }
0x2e: {  	s3 =	simm.s32 @!p0 $0x1082;
	s9 =	sld [smem:$0x3FB5]  }
0x2f: {  	lr =	sadd.s32 s0, s3;
	s0 =	sld [smem:$0x3FAC]  }
0x30: {  	s3 =	sld [smem:$0x3FAF]  }
0x31: {  	[smem:$0x3FB8] =	sst s10  }
0x32: {  	s10 =	sld [smem:$0x3FB6];
	_ =	sdelay $0x3  }
0x33: {  	p0 =	seq.s32 s10, $0x1;
	s10 =	sld [smem:$0x3FB8];
	_ =	sdelay $0x3  }
0x34: {  	[smem:$0x3FB8] =	sst s10  }
0x35: {  	s10 =	sld [smem:$0x3FB7];
	_ =	sdelay $0x3  }
0x36: {  	p1 =	seq.s32 s10, $0x1;
	s10 =	sld [smem:$0x3FB8];
	_ =	sdelay $0x3  }
0x37: {  	[smem:$0x3FB8] =	sst s10  }
0x38: {  	s10 =	sld [smem:$0x3FB9]  }
0x39: {  	_ = 	snop;
	(pc) =	sbr.ind lr, $3  }
0x3a: {  	_ = 	snop  }
0x3b: {  	_ = 	snop  }
0x3c: {  	p2 =	seq.s32 s10, $0x1;
	s10 =	sld [smem:$0x3FB8]  }
0x3d: {  	_ =	shalt  }
0x3e: {  	_ =	shalt  }
0x3f: {  	_ =	shalt  }
0x40: {  	_ =	shalt  }
0x41: {  	_ =	shalt  }
0x42: {  	_ =	shalt  }
0x43: {  	_ =	shalt  }
0x44: {  	_ =	shalt  }
0x45: {  	_ =	shalt  }
0x46: {  	_ =	shalt  }
0x47: {  	_ =	shalt  }
0x48: {  	_ =	shalt  }
0x49: {  	_ =	shalt  }
0x4a: {  	_ =	shalt  }
0x4b: {  	_ =	shalt  }
0x4c: {  	_ =	shalt  }
0x4d: {  	_ =	shalt  }
0x4e: {  	_ =	shalt  }
0x4f: {  	_ =	shalt  }
0x50: {  	_ =	shalt  }
0x51: {  	_ =	shalt  }
0x52: {  	_ =	shalt  }
0x53: {  	_ =	shalt  }
0x54: {  	_ =	shalt  }
0x55: {  	_ =	shalt  }
0x56: {  	_ =	shalt  }
0x57: {  	_ =	shalt  }
0x58: {  	_ =	shalt  }
0x59: {  	_ =	shalt  }
0x5a: {  	_ =	shalt  }
0x5b: {  	_ =	shalt  }
0x5c: {  	_ =	shalt  }
0x5d: {  	_ =	shalt  }
0x5e: {  	_ =	shalt  }
0x5f: {  	_ =	shalt  }
0x60: {  	_ =	shalt  }
0x61: {  	_ =	shalt  }
0x62: {  	_ =	shalt  }
0x63: {  	_ =	shalt  }
0x64: {  	_ =	shalt  }
0x65: {  	_ =	shalt  }
0x66: {  	_ =	shalt  }
0x67: {  	_ =	shalt  }
0x68: {  	_ =	shalt  }
0x69: {  	_ =	shalt  }
0x6a: {  	_ =	shalt  }
0x6b: {  	_ =	shalt  }
0x6c: {  	_ =	shalt  }
0x6d: {  	_ =	shalt  }
0x6e: {  	_ =	shalt  }
0x6f: {  	_ =	shalt  }
0x70: {  	_ =	shalt  }
0x71: {  	_ =	shalt  }
0x72: {  	_ =	shalt  }
0x73: {  	_ =	shalt  }
0x74: {  	_ =	shalt  }
0x75: {  	_ =	shalt  }
0x76: {  	_ =	shalt  }
0x77: {  	_ =	shalt  }
0x78: {  	_ =	shalt  }
0x79: {  	_ =	shalt  }
0x7a: {  	_ =	shalt  }
0x7b: {  	_ =	shalt  }
0x7c: {  	_ =	shalt  }
0x7d: {  	_ =	shalt  }
0x7e: {  	_ =	shalt  }
0x7f: {  	_ =	shalt  }
0x80: {  	_ =	shalt  }
0x81: {  	_ =	shalt  }
0x82: {  	_ =	shalt  }
0x83: {  	_ =	shalt  }
0x84: {  	_ =	shalt  }
0x85: {  	_ =	shalt  }
0x86: {  	_ =	shalt  }
0x87: {  	_ =	shalt  }
.Lfunc_end0:
.L_simem_size_0:
called_computation_lowered:
.L_overlay_start_0:
0x88: {  	s2 =	sld [smem:$0x3FD9]  }
0x89: {  	s3 =	sld [smem:$0x3FFE];
	_ =	sdelay $0x1  }
0x8a: {  	s1 =	srdreg.scid  }
0x8b: {  	s0 =	sand.u32 $0x1, s1  }
0x8c: {  	s16 =	sshll.u32 s0, $0xA;
	s2 =	sadd.s32 s3, s2  }
0x8d: {  	s2 =	sadd.s32 s2, s16  }
0x8e: {  	[smem:$0x3FC4] =	sst s2  }
0x8f: {  	_ = 	snop  }
0x90: {  	(tm) =	ssettm $0x1  }
0x91: {  	s17 =	sld [smem:$0x3FFB];
	_ =	sdelay $0x3  }
0x92: {  	_ =	strace s17  }
0x93: {  	s2 =	sld [smem:$0x3FFC];
	_ =	sdelay $0x3  }
0x94: {  	_ =	strace s2  }
0x95: {  	s2 =	sld [smem:$0x3FFD];
	_ =	sdelay $0x3  }
0x96: {  	_ =	strace s2  }
0x97: {  	_ =	strace $0x8FFFFFFF  }
0x98: {  	s18 =	sld [smem:$0x3FDB];
	_ =	sdelay $0x1  }
0x99: {  	s19 =	simm.s32 $_scs_section_size  }
0x9a: {  	s4 =	simm.s32 $_size__tile_overlayer_lowered;
	s5 =	simm.s32 $_tile_overlayer_lowered  }
0x9b: {  	s22 =	simm.s32 $0x1BFF;
	s21 =	sshll.u32 s5, $0x1;
	s2 =	sadd.s32 s19, s18  }
0x9c: {  	s6 =	simm.s32 $0x0;
	s20 =	sshll.u32 s4, $0x1;
	s4 =	sadd.s32 s21, s2  }
0x9d: {  	[timem:s6], [sflag:s22] =	dma.local [hbm:s4], s20  }
0x9e: {  	_ =	swait.ge [sflag:s22], s20  }
0x9f: {  	s3 =	ssub.s32 $0x0, s20;
	[sflag:s22] =	ssyncset.done $0x0  }
0xa0: {  	[sflag:s22] =	ssyncadd.s32 s3;
	_ =	sdelay $0x1  }
0xa1: {  	s23 =	simm.s32 $0x1B8B  }
0xa2: {  	_ =	swait.ge [sflag:s23], $0x1  }
0xa3: {  	[sflag:s23] =	ssyncset.done $0x0  }
0xa4: {  	s25 =	simm.s32 $0x1B8E;
	s24 =	sld [smem:$0x3FFE];
	[sflag:s23] =	ssyncadd.s32 $0xFFFFFFFF  }
0xa5: {  	s26 =	simm.s32 $execute0_lowered;
	[smem:$0x3FD2] =	sst s25  }
0xa6: {  	s4 =	sshll.u32 s26, $0x1;
	_ =	strace $0x80000046;
	[dreg:$0x1] =	wrdreg $0xFFFFFFFF  }
0xa7: {  	s28 =	simm.s32 $_size_execute0_lowered;
	s2 =	sadd.s32 s2, s4;
	[dreg:$0x0] =	wrdreg $0x0  }
0xa8: {  	s4 =	sshll.u32 s28, $0x1;
	[dreg:$0x2] =	wrdreg s2  }
0xa9: {  	[dreg:$0x3] =	wrdreg s4  }
0xaa: {  	[dreg:$0x4] =	wrdreg $0xC0  }
0xab: {  	_ =	task [dreg:s6], $0x5FFFF  }
0xac: {  	[dreg:$0x1] =	wrdreg $0xFFFFFFFF  }
0xad: {  	[dreg:$0x0] =	wrdreg $0x60  }
0xae: {  	[dreg:$0x2] =	wrdreg s24  }
0xaf: {  	[dreg:$0x3] =	wrdreg $0x28800  }
0xb0: {  	[dreg:$0x4] =	wrdreg $0x9  }
0xb1: {  	_ =	task.clear_ibuf [dreg:s6], $0x5FFFF;
	_ =	strace $0x90000046  }
0xb2: {  	s29 =	simm.s32 $0x9;
	_ =	strace $0x80000048  }
0xb3: {  	_ =	swait.ge [sflag:s29], $0x1  }
0xb4: {  	[sflag:s29] =	ssyncadd.s32 $0xFFFFFFFF  }
0xb5: {  	_ =	strace $0x90000048  }
0xb6: {  	_ =	sfence  }
0xb7: {  	s30 =	sld [smem:$0x0];
	_ =	sdelay $0x2  }
0xb8: {  	s31 =	sshll.u32 s1, $0xD;
	s1 =	sshrl.u32 s1, $0x2  }
0xb9: {  	s3 =	sand.u32 $0x4000, s31;
	s1 =	sadd.s32 s1, s30  }
0xba: {  	s0 =	sor.u32 s3, s0;
	s1 =	sshll.u32 s1, $0x11  }
0xbb: {  	s0 =	sor.u32 s1, s0  }
0xbc: {  	s0 =	sadd.s32 $0x8F2B, s0  }
0xbd: {  	[sflag:s0] =	ssyncadd.remote.s32 $0x1  }
0xbe: {  	_ =	sfence.sel $0xFFFF  }
0xbf: {  	[dreg:$0x0] =	wrdreg $0xFFFFFFFF;
	(pc) =	sbr.abs _section_cstart, $3  }
0xc0: {  	[dreg:$0x1] =	wrdreg $0xFFFFFFFF  }
0xc1: {  	_ =	task.clear_ibuf [dreg:s6], $0x2FFFF;
	_ =	strace $0x9FFFFFFF  }
0xc2: {  	(tm) =	ssettm $0x7FFFFFFF  }
0xc3: {  	_ =	shalt  }
tec
execute0_lowered:
.L_overlay_start_1:
0x0: {  	(tag) =	ssettag $0x1  }
0x1: {  	s0 =	srdreg.scid  }
0x2: {  	s9 =	stileid.u32;
	s5 =	rddreg [dreg:$0x0]  }
0x3: {  	s2 =	rddreg [dreg:$0x1];
	s3 =	simm.s32 $0x0;
	s10 =	simm.s32 $0x2  }
0x4: {  	s11 =	simm.s32 $0x80;
	s12 =	simm.s32 $0x2800;
	s13 =	simm.s32 $0x100  }
0x5: {  	s14 =	simm.s32 $0x180;
	s15 =	simm.s32 $0x200;
	s16 =	simm.s32 $0x280  }
0x6: {  	s17 =	simm.s32 $0x300;
	s18 =	simm.s32 $0x380;
	s19 =	simm.s32 $0x400  }
0x7: {  	s20 =	simm.s32 $0x480;
	s21 =	simm.s32 $0x500;
	s22 =	simm.s32 $0x580  }
0x8: {  	s28 =	simm.s32 $0x1;
	s29 =	simm.s32 $0x20;
	s30 =	simm.s32 $0x10  }
0x9: {  	s31 =	simm.s32 $0x0;
	s0 =	sand.u32 $0x1, s0;
	s4 =	smul.u32 $0x500, s9  }
0xa: {  	s1 =	sshll.u32 s9, $0x1;
	[smem:$0x7FF] =	sst s3;
	s7 =	smul.u32 $0xA00, s9  }
0xb: {  	s25 =	sshll.u32 s9, $0x6;
	s1 =	sor.u32 s0, s1;
	s6 =	sshll.u32 s0, $0x7  }
0xc: {  	_ =	strace $0x80000047;
	s0 =	ssub.s32 $0x2, s0;
	s1 =	smul.u32 $0x500, s1  }
0xd: {  	s4 =	sor.u32 s6, s4;
	s23 =	sshrl.u32 s0, $0x1;
	s24 =	sshrl.u32 s7, $0x2  }
0xe: {  	s6 =	sshrl.u32 s4, $0x3;
	s4 =	sadd.s32 $0xBC00, s5;
	s0 =	ssub.s32 s0, s23  }
0xf: {  	s26 =	sadd.s32 s24, s2;
	s23 =	simm.s32 $0x600;
	s24 =	simm.s32 $0x680  }
0x10: {  	s1 =	sadd.s32 s1, s5;
	s8 =	sadd.s32 s6, s5;
	s5 =	sor.u32 $0x1C02, s25  }
0x11: {  	s9 =	sshrl.u32 s26, $0x3;
	s25 =	simm.s32 $0x700;
	s26 =	simm.s32 $0x780  }
0x12: {  	v0 =	vimm.f32 $1.000000000e+00;
	s6 =	sadd.s32 $0x1C00, s1;
	s7 =	sadd.s32 $0xBE00, s8;
	s8 =	smax.u32 s0, $0x1  }
.LBB2_1:
0x13: {  	[tilespmem:$0x2800] =	vst v0  }
0x14: {  	[tilespmem:$0x2810] =	vst v0  }
0x15: {  	[tilespmem:$0x2820] =	vst v0  }
0x16: {  	[tilespmem:$0x2830] =	vst v0  }
0x17: {  	[tilespmem:$0x2840] =	vst v0  }
0x18: {  	[tilespmem:$0x2850] =	vst v0  }
0x19: {  	[tilespmem:$0x2860] =	vst v0  }
0x1a: {  	[tilespmem:$0x2870] =	vst v0  }
0x1b: {  	[spmem:s9], [sflag:s5] =	dma.local [hbm:s4], $0x50  }
0x1c: {  	_ =	swait.ge [sflag:s10], $0x50  }
0x1d: {  	[sflag:s10] =	ssyncset.done $0x0  }
0x1e: {  	[sflag:s10] =	ssyncadd.s32 $0xFFFFFFB0  }
0x1f: {  	[bflag:$0x0] =	sbarrier.arrive $0xFFFF  }
0x20: {  	[tilespmem:s3], [sflag:$0x2] =	stream.linear.gather [hbm4b:s6+s3], $0x2800, $0x38;
	[tilespmem:$0x2B00] =	vst v63  }
0x21: {  	_ =	swait.ge [sflag:s10], $0x2800  }
0x22: {  	[sflag:s10] =	ssyncset.done $0x0  }
0x23: {  	[sflag:s10] =	ssyncadd.s32 $0xFFFFD800  }
0x24: {  	[spmem:s2] =	stream.indirect.scatter.add.f32 [tilespmem:s12], [sflag:$0x1], $0x1, s3, s11, $0xb8;
	[tilespmem:$0x2B00] =	vst v63  }
0x25: {  	_ = 	snop  }
0x26: {  	[spmem:s2] =	stream.indirect.scatter.add.f32 [tilespmem:s12], [sflag:$0x1], $0x1, s11, s11, $0xb8;
	[tilespmem:$0x2B00] =	vst v63  }
0x27: {  	_ = 	snop  }
0x28: {  	[spmem:s2] =	stream.indirect.scatter.add.f32 [tilespmem:s12], [sflag:$0x1], $0x1, s13, s11, $0xb8;
	[tilespmem:$0x2B00] =	vst v63  }
0x29: {  	_ = 	snop  }
0x2a: {  	[spmem:s2] =	stream.indirect.scatter.add.f32 [tilespmem:s12], [sflag:$0x1], $0x1, s14, s11, $0xb8;
	[tilespmem:$0x2B00] =	vst v63  }
0x2b: {  	_ = 	snop  }
0x2c: {  	[spmem:s2] =	stream.indirect.scatter.add.f32 [tilespmem:s12], [sflag:$0x1], $0x1, s15, s11, $0xb8;
	[tilespmem:$0x2B00] =	vst v63  }
0x2d: {  	_ = 	snop  }
0x2e: {  	[spmem:s2] =	stream.indirect.scatter.add.f32 [tilespmem:s12], [sflag:$0x1], $0x1, s16, s11, $0xb8;
	[tilespmem:$0x2B00] =	vst v63  }
0x2f: {  	_ = 	snop  }
0x30: {  	[spmem:s2] =	stream.indirect.scatter.add.f32 [tilespmem:s12], [sflag:$0x1], $0x1, s17, s11, $0xb8;
	[tilespmem:$0x2B00] =	vst v63  }
0x31: {  	_ = 	snop  }
0x32: {  	[spmem:s2] =	stream.indirect.scatter.add.f32 [tilespmem:s12], [sflag:$0x1], $0x1, s18, s11, $0xb8;
	[tilespmem:$0x2B00] =	vst v63  }
0x33: {  	_ = 	snop  }
0x34: {  	[spmem:s2] =	stream.indirect.scatter.add.f32 [tilespmem:s12], [sflag:$0x1], $0x1, s19, s11, $0xb8;
	[tilespmem:$0x2B00] =	vst v63  }
0x35: {  	_ = 	snop  }
0x36: {  	[spmem:s2] =	stream.indirect.scatter.add.f32 [tilespmem:s12], [sflag:$0x1], $0x1, s20, s11, $0xb8;
	[tilespmem:$0x2B00] =	vst v63  }
0x37: {  	_ = 	snop  }
0x38: {  	[spmem:s2] =	stream.indirect.scatter.add.f32 [tilespmem:s12], [sflag:$0x1], $0x1, s21, s11, $0xb8;
	[tilespmem:$0x2B00] =	vst v63  }
0x39: {  	_ = 	snop  }
0x3a: {  	[spmem:s2] =	stream.indirect.scatter.add.f32 [tilespmem:s12], [sflag:$0x1], $0x1, s22, s11, $0xb8;
	[tilespmem:$0x2B00] =	vst v63  }
0x3b: {  	_ = 	snop  }
0x3c: {  	[spmem:s2] =	stream.indirect.scatter.add.f32 [tilespmem:s12], [sflag:$0x1], $0x1, s23, s11, $0xb8;
	[tilespmem:$0x2B00] =	vst v63  }
0x3d: {  	_ = 	snop  }
0x3e: {  	[spmem:s2] =	stream.indirect.scatter.add.f32 [tilespmem:s12], [sflag:$0x1], $0x1, s24, s11, $0xb8;
	[tilespmem:$0x2B00] =	vst v63  }
0x3f: {  	_ = 	snop  }
0x40: {  	[spmem:s2] =	stream.indirect.scatter.add.f32 [tilespmem:s12], [sflag:$0x1], $0x1, s25, s11, $0xb8;
	[tilespmem:$0x2B00] =	vst v63  }
0x41: {  	_ = 	snop  }
0x42: {  	[spmem:s2] =	stream.indirect.scatter.add.f32 [tilespmem:s12], [sflag:$0x1], $0x1, s26, s11, $0xb8;
	[tilespmem:$0x2B00] =	vst v63  }
0x43: {  	_ =	swait.ge [sflag:s28], $0x80  }
0x44: {  	[sflag:s28] =	ssyncset.done $0x0  }
0x45: {  	s1 =	simm.s32 $0x200;
	s0 =	simm.s32 $0x800;
	[sflag:s28] =	ssyncadd.s32 $0xFFFFFF80  }
.LBB2_2:
0x46: {  	[spmem:s2] =	stream.indirect.scatter.add.f32 [tilespmem:s12], [sflag:$0x1], $0x1, s0, s11, $0xb8;
	[tilespmem:$0x2B00] =	vst v63  }
0x47: {  	s0 =	smov.u32 s1;
	p0 =	sne.s32 s1, $0x7E00  }
.Ltmp0:
0x48: {  	s1 =	sadd.s32 $0x200, s1;
	(pc) =	sbr.rel @p0 .LBB2_2-.Ltmp0, $4  }
0x49: {  	_ = 	snop  }
0x4a: {  	_ =	swait.ge [sflag:s28], $0x80  }
0x4b: {  	s0 =	sshra.s32 s0, $0x2;
	[sflag:s28] =	ssyncset.done $0x0  }
0x4c: {  	s0 =	sadd.s32 $0x800, s0;
	[sflag:s28] =	ssyncadd.s32 $0xFFFFFF80  }
0x4d: {  	[spmem:s2] =	stream.indirect.scatter.add.f32 [tilespmem:s12], [sflag:$0x1], $0x1, s0, s11, $0xb8;
	[tilespmem:$0x2B00] =	vst v63  }
0x4e: {  	_ =	swait.ge [sflag:s28], $0x80  }
0x4f: {  	[sflag:s28] =	ssyncset.done $0x0  }
0x50: {  	[sflag:s28] =	ssyncadd.s32 $0xFFFFFF80  }
0x51: {  	_ =	swait.ge [sflag:s28], $0x80  }
0x52: {  	[sflag:s28] =	ssyncset.done $0x0  }
0x53: {  	[sflag:s28] =	ssyncadd.s32 $0xFFFFFF80  }
0x54: {  	_ =	swait.ge [sflag:s28], $0x80  }
0x55: {  	[sflag:s28] =	ssyncset.done $0x0  }
0x56: {  	[sflag:s28] =	ssyncadd.s32 $0xFFFFFF80  }
0x57: {  	_ =	swait.ge [sflag:s28], $0x80  }
0x58: {  	[sflag:s28] =	ssyncset.done $0x0  }
0x59: {  	[sflag:s28] =	ssyncadd.s32 $0xFFFFFF80  }
0x5a: {  	_ =	swait.ge [sflag:s28], $0x80  }
0x5b: {  	[sflag:s28] =	ssyncset.done $0x0  }
0x5c: {  	[sflag:s28] =	ssyncadd.s32 $0xFFFFFF80  }
0x5d: {  	_ =	swait.ge [sflag:s28], $0x80  }
0x5e: {  	[sflag:s28] =	ssyncset.done $0x0  }
0x5f: {  	[sflag:s28] =	ssyncadd.s32 $0xFFFFFF80  }
0x60: {  	_ =	swait.ge [sflag:s28], $0x80  }
0x61: {  	[sflag:s28] =	ssyncset.done $0x0  }
0x62: {  	[sflag:s28] =	ssyncadd.s32 $0xFFFFFF80  }
0x63: {  	_ =	swait.ge [sflag:s28], $0x80  }
0x64: {  	[sflag:s28] =	ssyncset.done $0x0  }
0x65: {  	[sflag:s28] =	ssyncadd.s32 $0xFFFFFF80  }
0x66: {  	_ =	swait.ge [sflag:s28], $0x80  }
0x67: {  	[sflag:s28] =	ssyncset.done $0x0  }
0x68: {  	[sflag:s28] =	ssyncadd.s32 $0xFFFFFF80  }
0x69: {  	_ =	swait.ge [sflag:s28], $0x80  }
0x6a: {  	[sflag:s28] =	ssyncset.done $0x0  }
0x6b: {  	[sflag:s28] =	ssyncadd.s32 $0xFFFFFF80  }
0x6c: {  	_ =	swait.ge [sflag:s28], $0x80  }
0x6d: {  	[sflag:s28] =	ssyncset.done $0x0  }
0x6e: {  	[sflag:s28] =	ssyncadd.s32 $0xFFFFFF80  }
0x6f: {  	_ =	swait.ge [sflag:s28], $0x80  }
0x70: {  	[sflag:s28] =	ssyncset.done $0x0  }
0x71: {  	[sflag:s28] =	ssyncadd.s32 $0xFFFFFF80  }
0x72: {  	_ =	swait.ge [sflag:s28], $0x80  }
0x73: {  	[sflag:s28] =	ssyncset.done $0x0  }
0x74: {  	[sflag:s28] =	ssyncadd.s32 $0xFFFFFF80  }
0x75: {  	_ =	swait.ge [sflag:s28], $0x80  }
0x76: {  	[sflag:s28] =	ssyncset.done $0x0  }
0x77: {  	[sflag:s28] =	ssyncadd.s32 $0xFFFFFF80  }
0x78: {  	_ =	swait.ge [sflag:s28], $0x80  }
0x79: {  	[sflag:s28] =	ssyncset.done $0x0  }
0x7a: {  	[sflag:s28] =	ssyncadd.s32 $0xFFFFFF80  }
0x7b: {  	_ =	swait.ge [sflag:s28], $0x80  }
0x7c: {  	s31 =	sadd.s32 $0x1, s31;
	[sflag:s28] =	ssyncset.done $0x0  }
0x7d: {  	p0 =	sne.s32 s31, s8;
	[sflag:s28] =	ssyncadd.s32 $0xFFFFFF80  }
.Ltmp1:
0x7e: {  	[bflag:$0x0] =	sbarrier.arrive $0xFFFF;
	(pc) =	sbr.rel @p0 .LBB2_1-.Ltmp1, $4  }
0x7f: {  	[hbm:s7@s29], [sflag:s5] =	dma.strided [spmem:s9@s30], $0x50, s28, $0x10   }
0x80: {  	_ =	swait.ge [sflag:s10], $0x50  }
0x81: {  	[sflag:s10] =	ssyncset.done $0x0  }
0x82: {  	[sflag:s10] =	ssyncadd.s32 $0xFFFFFFB0  }
0x83: {  	_ =	sfence.sel $0x180000  }
0x84: {  	[bflag:$0x0] =	sbarrier.arrive $0xFFFF  }
0x85: {  	_ =	strace $0x90000047  }
0x86: {  	s0 =	stileid.u32;
	[bflag:$0x2] =	sbarrier.arrive $0xFFFF  }
0x87: {  	p0 =	sne.s32 s0, $0x0;
	s0 =	rddreg [dreg:$0x2]  }
0x88: {  	s0 =	sadd.s32 @!p0 $0x100000, s0  }
0x89: {  	[sflag:s0] =	ssyncadd.tile.s32 @!p0 $0x1;
	_ =	shalt  }
.Lfunc_end2:
_tile_overlayer_lowered:
.L_overlay_start_2:
0x8a: {  	(tag) =	ssettag $0x2  }
0x8b: {  	s0 =	rddreg [dreg:$0x0];
	s2 =	stileid.u32  }
0x8c: {  	s1 =	rddreg [dreg:$0x1];
	p0 =	sne.s32 s2, $0x0  }
0x8d: {  	s3 =	rddreg [dreg:$0x2];
	[bflag:$0x3] =	sbarrier.arrive $0xFFFF;
	s2 =	simm.s32 @!p0 $0x1C02  }
0x8e: {  	[timem:s3], [sflag:s2] =	dma.local @!p0 [hbm:s0], s1  }
0x8f: {  	s0 =	simm.s32 @!p0 $0x2  }
0x90: {  	_ =	swait.ge @!p0 [sflag:s0], s1  }
0x91: {  	s1 =	ssub.s32 @!p0 $0x0, s1;
	[sflag:s0] =	ssyncset.done @!p0 $0x0  }
0x92: {  	[sflag:s0] =	ssyncadd.s32 @!p0 s1  }
0x93: {  	[bflag:$0x3] =	sbarrier.arrive $0xFFFF  }
0x94: {  	_ =	shalt  }

</sc_bundles>
